<compile_context>
chip_gen: v7x
topology: tpu7x:2x2x1
jax: 0.10.2.dev20260603
libtpu: 0.0.44.dev20260713+nightly
codegen_flags: <defaults>
</compile_context>

<pallas_src>
import functools

import jax
import jax.numpy as jnp
from jax import lax
from jax.experimental import pallas as pl
from jax.experimental.pallas import tpu as pltpu
from jax.experimental.pallas import tpu_sc as plsc

_LANES = 16
_NCORES = 2
_NSUB = 16
_NTILES = _NCORES * _NSUB
_CHUNK = 128


def _dyn_gather16(vec, idx):
    return lax.gather(
        vec,
        idx[:, None],
        lax.GatherDimensionNumbers(
            offset_dims=(), collapsed_slice_dims=(0,), start_index_map=(0,)
        ),
        slice_sizes=(1,),
        mode=lax.GatherScatterMode.PROMISE_IN_BOUNDS,
    )


def _make_edge_kernel(epad, nv, gw, dh, expand_heads):
    per_tile = epad // _NTILES
    rows_per_tile = nv // _NSUB
    mesh = plsc.VectorSubcoreMesh(core_axis_name="c", subcore_axis_name="s")

    @functools.partial(
        pl.kernel,
        out_type=jax.ShapeDtypeStruct((_NCORES, nv, gw), jnp.float32),
        mesh=mesh,
        compiler_params=pltpu.CompilerParams(use_tc_tiling_on_sc=False),
        scratch_types=[
            pltpu.VMEM((_CHUNK, gw), jnp.float32),
            pltpu.VMEM((_CHUNK, 16), jnp.float32),
            pltpu.VMEM((_CHUNK, gw), jnp.float32),
            pltpu.VMEM((_CHUNK,), jnp.int32),
            pltpu.VMEM((_CHUNK,), jnp.int32),
            pltpu.VMEM_SHARED((nv, gw), jnp.float32),
            pltpu.SemaphoreType.DMA,
            pltpu.SemaphoreType.DMA,
        ],
    )
    def edge_kernel(hel_hbm, er_hbm, src_hbm, dst_hbm, out_hbm,
                    hbuf, erbuf, msg, sidx, didx, acc, sem1, sem2):
        cid = lax.axis_index("c")
        sid = lax.axis_index("s")
        wid = sid * _NCORES + cid
        zbase = sid * rows_per_tile

        @pl.loop(0, _CHUNK)
        def _(i):
            @pl.loop(0, gw, step=_LANES)
            def _(j):
                msg[i, pl.ds(j, _LANES)] = jnp.zeros((_LANES,), jnp.float32)

        zfull = (rows_per_tile // _CHUNK) * _CHUNK
        ztail = rows_per_tile % _CHUNK

        @pl.loop(0, zfull, step=_CHUNK)
        def _(r):
            pltpu.sync_copy(msg, acc.at[pl.ds(zbase + r, _CHUNK)])

        if ztail:
            pltpu.sync_copy(msg.at[pl.ds(0, ztail)],
                            acc.at[pl.ds(zbase + zfull, ztail)])

        plsc.subcore_barrier()

        if expand_heads:
            base_idx = jnp.right_shift(lax.iota(jnp.int32, _LANES), 3)
            exp_idx = [base_idx + (2 * j) for j in range(dh // _LANES)]

        ebase = wid * per_tile

        @pl.loop(0, per_tile, step=_CHUNK)
        def _(off):
            base = ebase + off
            pltpu.sync_copy(src_hbm.at[pl.ds(base, _CHUNK)], sidx)
            pltpu.sync_copy(dst_hbm.at[pl.ds(base, _CHUNK)], didx)
            g1 = pltpu.async_copy(hel_hbm.at[sidx], hbuf, sem1)
            g2 = pltpu.async_copy(er_hbm.at[didx], erbuf, sem2)
            g1.wait()
            g2.wait()

            @pl.loop(0, _CHUNK)
            def _(i):
                el = hbuf[i, pl.ds(dh, _LANES)]
                er = erbuf[i, pl.ds(0, _LANES)]
                t = el + er
                ex = jnp.exp(jnp.maximum(t, t * 0.2))
                msg[i, pl.ds(dh, _LANES)] = ex
                for j in range(dh // _LANES):
                    w = _dyn_gather16(ex, exp_idx[j]) if expand_heads else ex
                    msg[i, pl.ds(_LANES * j, _LANES)] = (
                        hbuf[i, pl.ds(_LANES * j, _LANES)] * w
                    )

            pltpu.sync_copy(msg, acc.at[didx], add=True)

        plsc.subcore_barrier()
        pltpu.sync_copy(
            acc.at[pl.ds(zbase, rows_per_tile)],
            out_hbm.at[cid, pl.ds(zbase, rows_per_tile)],
        )

    return edge_kernel


def _blockdiag(aflat, h, d):
    k = lax.broadcasted_iota(jnp.int32, (h * d, h), 0)
    j = lax.broadcasted_iota(jnp.int32, (h * d, h), 1)
    return jnp.where(k // d == j, aflat, 0.0)


def kernel(feat, edge_index, W1, al1, ar1, b1, W2, al2, ar2, b2):
    n, f_in = feat.shape
    e = edge_index.shape[1]
    h1, d1 = al1.shape
    hd = h1 * d1
    out_dim = W2.shape[1]
    gw1 = hd + 16
    gw2 = out_dim + 16

    nv = -(-(n + 8) // _CHUNK) * _CHUNK
    epad = -(-e // (_NTILES * _CHUNK)) * (_NTILES * _CHUNK)

    src = edge_index[0].astype(jnp.int32)
    dst = edge_index[1].astype(jnp.int32)
    npad_e = epad - e
    if npad_e:
        src = jnp.concatenate([src, jnp.full((npad_e,), n, jnp.int32)])
        dst = jnp.concatenate([dst, jnp.full((npad_e,), n, jnp.int32)])

    nblk = 8
    rb = nv // nblk
    featp = jnp.pad(feat, ((0, nv - n), (0, 0)))

    def _rows(w):
        return pl.BlockSpec((rb, w), lambda i: (i, 0))

    def _whole(*shape):
        nd = len(shape)
        return pl.BlockSpec(shape, lambda i, _z=(0,) * nd: _z)

    def proj1_body(feat_r, w1_r, al1_r, ar1_r, hel_r, erp_r):
        h = jnp.dot(feat_r[...], w1_r[...], preferred_element_type=jnp.float32)
        el = jnp.dot(h, _blockdiag(al1_r[...], h1, d1),
                     preferred_element_type=jnp.float32)
        er = jnp.dot(h, _blockdiag(ar1_r[...], h1, d1),
                     preferred_element_type=jnp.float32)
        zc = jnp.zeros((rb, 16 - h1), jnp.float32)
        hel_r[...] = jnp.concatenate([h, el, zc], axis=1)
        erp_r[...] = jnp.concatenate([er, zc], axis=1)

    hel1, er1p = pl.pallas_call(
        proj1_body,
        grid=(nblk,),
        in_specs=[_rows(f_in), _whole(f_in, hd), _whole(hd, 1), _whole(hd, 1)],
        out_specs=(_rows(gw1), _rows(16)),
        out_shape=(
            jax.ShapeDtypeStruct((nv, gw1), jnp.float32),
            jax.ShapeDtypeStruct((nv, 16), jnp.float32),
        ),
    )(featp, W1, al1.reshape(hd, 1), ar1.reshape(hd, 1))

    acc1 = _make_edge_kernel(epad, nv, gw1, hd, True)(hel1, er1p, src, dst)

    def mid_body(acc_r, hel_r, erp_r, b1_r, w2_r, al2_r, ar2_r,
                 hel2_r, er2_r):
        acc = acc_r[0] + acc_r[1]
        num = acc[:, :hd]
        den = acc[:, hd:hd + h1]
        h = hel_r[...][:, :hd]
        el = hel_r[...][:, hd:hd + h1]
        er = erp_r[...][:, :h1]
        t = el + er
        exs = jnp.exp(jnp.maximum(t, t * 0.2))
        num = num + jnp.repeat(exs, d1, axis=1) * h
        den = den + exs
        o1 = num / jnp.repeat(den, d1, axis=1) + b1_r[...]
        o1 = jnp.where(o1 > 0, o1, jnp.exp(jnp.minimum(o1, 0.0)) - 1.0)
        h2 = jnp.dot(o1, w2_r[...], preferred_element_type=jnp.float32)
        el2 = jnp.sum(h2 * al2_r[...], axis=1, keepdims=True)
        er2 = jnp.sum(h2 * ar2_r[...], axis=1, keepdims=True)
        hel2_r[...] = jnp.concatenate(
            [h2, jnp.broadcast_to(el2, (rb, 16))], axis=1)
        er2_r[...] = jnp.broadcast_to(er2, (rb, 16))

    hel2, er2p = pl.pallas_call(
        mid_body,
        grid=(nblk,),
        in_specs=[
            pl.BlockSpec((2, rb, gw1), lambda i: (0, i, 0)),
            _rows(gw1), _rows(16), _whole(1, hd), _whole(hd, out_dim),
            _whole(1, out_dim), _whole(1, out_dim),
        ],
        out_specs=(_rows(gw2), _rows(16)),
        out_shape=(
            jax.ShapeDtypeStruct((nv, gw2), jnp.float32),
            jax.ShapeDtypeStruct((nv, 16), jnp.float32),
        ),
    )(acc1, hel1, er1p, b1.reshape(1, hd), W2, al2, ar2)

    acc2 = _make_edge_kernel(epad, nv, gw2, out_dim, False)(hel2, er2p, src, dst)

    def final_body(acc_r, hel2_r, er2_r, b2_r, out_r):
        acc = acc_r[0] + acc_r[1]
        num = acc[:, :out_dim]
        den = acc[:, out_dim:out_dim + 1]
        h2 = hel2_r[...][:, :out_dim]
        el2 = hel2_r[...][:, out_dim:out_dim + 1]
        er2 = er2_r[...][:, :1]
        t = el2 + er2
        exs = jnp.exp(jnp.maximum(t, t * 0.2))
        out_r[...] = (num + exs * h2) / (den + exs) + b2_r[...]

    return pl.pallas_call(
        final_body,
        grid=(nblk,),
        in_specs=[
            pl.BlockSpec((2, rb, gw2), lambda i: (0, i, 0)),
            _rows(gw2), _rows(16), _whole(1, out_dim),
        ],
        out_specs=_rows(out_dim),
        out_shape=jax.ShapeDtypeStruct((n, out_dim), jnp.float32),
    )(acc2, hel2, er2p, b2.reshape(1, out_dim))

# --- scband reference (transcript-rebuilt; emitter-appended) ---
"""Pipeline reference for scband-gat-70901320122657 (READ-ONLY COPY).

The authoritative reference and input builder live on the scoring server;
editing this copy changes nothing except your own understanding.
"""

import jax, jax.numpy as jnp
import numpy as np

N = 10000
E = 320000
F_IN = 128
H1 = 8
D1 = 8
OUT = 128


def setup_inputs(seed: int = 0) -> dict:
    key = jax.random.key(seed)
    ks = jax.random.split(key, 10)
    feat = jax.random.normal(ks[0], (N, F_IN), dtype=jnp.float32)
    edge_index = jax.random.randint(ks[1], (2, E), 0, N)

    def init_w(k, shape, fan):
        return jax.random.normal(k, shape, dtype=jnp.float32) * (1.0 / np.sqrt(fan))

    W1 = init_w(ks[2], (F_IN, H1 * D1), F_IN)
    al1 = init_w(ks[3], (H1, D1), D1)
    ar1 = init_w(ks[4], (H1, D1), D1)
    b1 = jnp.zeros((H1 * D1,), dtype=jnp.float32)
    W2 = init_w(ks[5], (H1 * D1, OUT), H1 * D1)
    al2 = init_w(ks[6], (1, OUT), OUT)
    ar2 = init_w(ks[7], (1, OUT), OUT)
    b2 = jnp.zeros((OUT,), dtype=jnp.float32)
    return {"feat": feat, "edge_index": edge_index, "W1": W1, "al1": al1,
            "ar1": ar1, "b1": b1, "W2": W2, "al2": al2, "ar2": ar2, "b2": b2}


def _gat_layer(x, src, dst, W, al, ar, b, H, D, n):
    # Linear projection into H heads of dim D
    h = (x @ W).reshape(n, H, D)
    # Additive attention logits (DGL GATConv style)
    el = (h * al[None, :, :]).sum(-1)  # [n, H]
    er = (h * ar[None, :, :]).sum(-1)  # [n, H]
    e = el[src] + er[dst]              # [E, H] gather
    e = jax.nn.leaky_relu(e, negative_slope=0.2)
    # edge softmax over incoming edges per destination node
    m = jax.ops.segment_max(e, dst, num_segments=n)
    m = jax.lax.stop_gradient(m)
    ex = jnp.exp(e - m[dst])
    s = jax.ops.segment_sum(ex, dst, num_segments=n)
    alpha = ex / s[dst]                # [E, H]
    msg = h[src] * alpha[:, :, None]   # [E, H, D] gather + weight
    out = jax.ops.segment_sum(msg, dst, num_segments=n)  # [n, H, D] scatter-add
    return out + b.reshape(1, H, D)


def reference(feat, edge_index, W1, al1, ar1, b1, W2, al2, ar2, b2):
    n = feat.shape[0]
    loops = jnp.arange(n, dtype=edge_index.dtype)
    src = jnp.concatenate([edge_index[0], loops])  # add self loops
    dst = jnp.concatenate([edge_index[1], loops])
    h = _gat_layer(feat, src, dst, W1, al1, ar1, b1, H1, D1, n)
    h = h.reshape(n, H1 * D1)  # Flatten(1) over heads
    h = jax.nn.elu(h)
    h2 = _gat_layer(h, src, dst, W2, al2, ar2, b2, 1, OUT, n)  # [n, 1, OUT]
    return h2.mean(axis=1)  # .mean(1) over head dim -> [n, OUT]

if __name__ == "__main__":
    import jax
    _d = setup_inputs()
    print(jax.jit(kernel)(*tuple(_d.values())))

</pallas_src>

<mosaic_0001>
#map = affine_map<(d0, d1) -> (0, 0)>
#map1 = affine_map<(d0, d1) -> (0)>
#map2 = affine_map<(d0, d1) -> (0, 0, 0)>
module attributes {stable_mosaic.version = 14 : i64} {
  func.func @edge_kernel(%arg0: i32, %arg1: i32, %arg2: memref<10112x144xf32, #tpu.memory_space<hbm>>, %arg3: memref<10112x16xf32, #tpu.memory_space<hbm>>, %arg4: memref<323584xi32, #tpu.memory_space<hbm>>, %arg5: memref<323584xi32, #tpu.memory_space<hbm>>, %arg6: memref<2x10112x144xf32, #tpu.memory_space<hbm>>, %arg7: memref<128x144xf32, #tpu.memory_space<vmem>>, %arg8: memref<128x16xf32, #tpu.memory_space<vmem>>, %arg9: memref<128x144xf32, #tpu.memory_space<vmem>>, %arg10: memref<128xi32, #tpu.memory_space<vmem>>, %arg11: memref<128xi32, #tpu.memory_space<vmem>>, %arg12: memref<10112x144xf32, #tpu.memory_space<vmem_shared>>, %arg13: memref<!tpu.dma_semaphore, #tpu.memory_space<semaphore_mem>>, %arg14: memref<!tpu.dma_semaphore, #tpu.memory_space<semaphore_mem>>) attributes {dimension_semantics = [#tpu.dimension_semantics<core_parallel>, #tpu.dimension_semantics<subcore_parallel>], iteration_bounds = array<i64: 2, 16>, scalar_prefetch = 0 : i64, scratch_operands = 8 : i64, tpu.core_type = #tpu.core_type<sc_vector_subcore>, window_params = [{transform_indices = #map}, {transform_indices = #map}, {transform_indices = #map1}, {transform_indices = #map1}, {transform_indices = #map2}]} {
    %mul3A = arith.constant 2 : i32
    %mul3A_0 = arith.muli %arg1, %mul3A : i32
    %add3A = arith.addi %mul3A_0, %arg0 : i32
    %mul3A_1 = arith.constant 632 : i32
    %mul3A_2 = arith.muli %arg1, %mul3A_1 : i32
    %scan3A = arith.constant 0 : i32
    %scan3A_3 = arith.constant 128 : i32
    %scan3A_4 = arith.addi %scan3A, %scan3A_3 : i32
    %scan3A_5 = arith.constant 1 : i32
    scf.for %scan3A_22 = %scan3A to %scan3A_4 step %scan3A_5  : i32 {
      %mul3A_23 = arith.constant 1 : i32
      %mul3A_24 = arith.muli %scan3A_22, %mul3A_23 : i32
      %add3A_25 = arith.constant 0 : i32
      %add3A_26 = arith.addi %add3A_25, %mul3A_24 : i32
      %scan3A_27 = arith.constant 0 : i32
      %scan3A_28 = arith.constant 9 : i32
      %scan3A_29 = arith.addi %scan3A_27, %scan3A_28 : i32
      %scan3A_30 = arith.constant 1 : i32
      scf.for %scan3A_32 = %scan3A_27 to %scan3A_29 step %scan3A_30  : i32 {
        %mul3A_33 = arith.constant 16 : i32
        %mul3A_34 = arith.muli %scan3A_32, %mul3A_33 : i32
        %add3A_35 = arith.constant 0 : i32
        %add3A_36 = arith.addi %add3A_35, %mul3A_34 : i32
        %broadcast_in_dim3A = arith.constant 0.000000e+00 : f32
        %broadcast_in_dim3A_37 = vector.broadcast %broadcast_in_dim3A : f32 to vector<16xf32>
        %swap3A = arith.index_cast %add3A_26 : i32 to index
        %swap3A_38 = arith.index_cast %add3A_36 : i32 to index
        %swap3A_39 = tpu.vector_load %arg9[%swap3A, %swap3A_38] {strides = array<i32>} : memref<128x144xf32, #tpu.memory_space<vmem>>, vector<1x16xf32>,
        %swap3A_40 = vector.shape_cast %swap3A_39 : vector<1x16xf32> to vector<16xf32>
        %swap3A_41 = vector.shape_cast %broadcast_in_dim3A_37 : vector<16xf32> to vector<1x16xf32>
        tpu.vector_store %arg9[%swap3A, %swap3A_38], %swap3A_41 {strides = array<i32>} : memref<128x144xf32, #tpu.memory_space<vmem>>, vector<1x16xf32>,
      }
      %scan3A_31 = arith.constant 9 : i32
    }
    %scan3A_6 = arith.constant 128 : i32
    %scan3A_7 = arith.constant 0 : i32
    %scan3A_8 = arith.constant 4 : i32
    %scan3A_9 = arith.addi %scan3A_7, %scan3A_8 : i32
    %scan3A_10 = arith.constant 1 : i32
    scf.for %scan3A_22 = %scan3A_7 to %scan3A_9 step %scan3A_10  : i32 {
      %mul3A_23 = arith.constant 128 : i32
      %mul3A_24 = arith.muli %scan3A_22, %mul3A_23 : i32
      %add3A_25 = arith.constant 0 : i32
      %add3A_26 = arith.addi %add3A_25, %mul3A_24 : i32
      %add3A_27 = arith.addi %mul3A_2, %add3A_26 : i32
      "tpu.region"() ({
        %run_scoped3A = tpu.sem_alloc : memref<!tpu.dma_semaphore, #tpu.memory_space<semaphore_mem>>
        %dma_start3A = arith.constant 0 : i32
        %dma_start3A_28 = tpu.memref_slice %arg12[%add3A_27, %dma_start3A] : memref<10112x144xf32, #tpu.memory_space<vmem_shared>> -> memref<128x144xf32, #tpu.memory_space<vmem_shared>>
        %dma_start3A_29 = arith.constant 0 : i32
        %dma_start3A_30 = tpu.memref_slice %arg12[%add3A_27, %dma_start3A_29] : memref<10112x144xf32, #tpu.memory_space<vmem_shared>> -> memref<128x144xf32, #tpu.memory_space<vmem_shared>>
        tpu.enqueue_dma source(%arg9 : memref<128x144xf32, #tpu.memory_space<vmem>>) target(%dma_start3A_30 : memref<128x144xf32, #tpu.memory_space<vmem_shared>>) target_semaphore(%run_scoped3A : memref<!tpu.dma_semaphore, #tpu.memory_space<semaphore_mem>>)
        %dma_wait3A = arith.constant 0 : i32
        %dma_wait3A_31 = tpu.memref_slice %arg12[%add3A_27, %dma_wait3A] : memref<10112x144xf32, #tpu.memory_space<vmem_shared>> -> memref<128x144xf32, #tpu.memory_space<vmem_shared>>
        %dma_wait3A_32 = arith.constant 0 : i32
        %dma_wait3A_33 = tpu.memref_slice %arg12[%add3A_27, %dma_wait3A_32] : memref<10112x144xf32, #tpu.memory_space<vmem_shared>> -> memref<128x144xf32, #tpu.memory_space<vmem_shared>>
        tpu.wait_dma2 semaphore(%run_scoped3A : memref<!tpu.dma_semaphore, #tpu.memory_space<semaphore_mem>>) src(%arg9 : memref<128x144xf32, #tpu.memory_space<vmem>>) dst(%dma_wait3A_33 : memref<128x144xf32, #tpu.memory_space<vmem_shared>>)
        tpu.yield
      }) : () -> ()
    }
    %scan3A_11 = arith.constant 4 : i32
    %add3A_12 = arith.constant 512 : i32
    %add3A_13 = arith.addi %mul3A_2, %add3A_12 : i32
    "tpu.region"() ({
      %run_scoped3A = tpu.sem_alloc : memref<!tpu.dma_semaphore, #tpu.memory_space<semaphore_mem>>
      %dma_start3A = arith.constant 0 : i32
      %dma_start3A_22 = arith.constant 0 : i32
      %dma_start3A_23 = tpu.memref_slice %arg9[%dma_start3A, %dma_start3A_22] : memref<128x144xf32, #tpu.memory_space<vmem>> -> memref<120x144xf32, #tpu.memory_space<vmem>>
      %dma_start3A_24 = arith.constant 0 : i32
      %dma_start3A_25 = tpu.memref_slice %arg12[%add3A_13, %dma_start3A_24] : memref<10112x144xf32, #tpu.memory_space<vmem_shared>> -> memref<120x144xf32, #tpu.memory_space<vmem_shared>>
      %dma_start3A_26 = arith.constant 0 : i32
      %dma_start3A_27 = tpu.memref_slice %arg12[%add3A_13, %dma_start3A_26] : memref<10112x144xf32, #tpu.memory_space<vmem_shared>> -> memref<120x144xf32, #tpu.memory_space<vmem_shared>>
      %dma_start3A_28 = arith.constant 0 : i32
      %dma_start3A_29 = arith.constant 0 : i32
      %dma_start3A_30 = tpu.memref_slice %arg9[%dma_start3A_28, %dma_start3A_29] : memref<128x144xf32, #tpu.memory_space<vmem>> -> memref<120x144xf32, #tpu.memory_space<vmem>>
      tpu.enqueue_dma source(%dma_start3A_30 : memref<120x144xf32, #tpu.memory_space<vmem>>) target(%dma_start3A_27 : memref<120x144xf32, #tpu.memory_space<vmem_shared>>) target_semaphore(%run_scoped3A : memref<!tpu.dma_semaphore, #tpu.memory_space<semaphore_mem>>)
      %dma_wait3A = arith.constant 0 : i32
      %dma_wait3A_31 = arith.constant 0 : i32
      %dma_wait3A_32 = tpu.memref_slice %arg9[%dma_wait3A, %dma_wait3A_31] : memref<128x144xf32, #tpu.memory_space<vmem>> -> memref<120x144xf32, #tpu.memory_space<vmem>>
      %dma_wait3A_33 = arith.constant 0 : i32
      %dma_wait3A_34 = tpu.memref_slice %arg12[%add3A_13, %dma_wait3A_33] : memref<10112x144xf32, #tpu.memory_space<vmem_shared>> -> memref<120x144xf32, #tpu.memory_space<vmem_shared>>
      %dma_wait3A_35 = arith.constant 0 : i32
      %dma_wait3A_36 = tpu.memref_slice %arg12[%add3A_13, %dma_wait3A_35] : memref<10112x144xf32, #tpu.memory_space<vmem_shared>> -> memref<120x144xf32, #tpu.memory_space<vmem_shared>>
      %dma_wait3A_37 = arith.constant 0 : i32
      %dma_wait3A_38 = arith.constant 0 : i32
      %dma_wait3A_39 = tpu.memref_slice %arg9[%dma_wait3A_37, %dma_wait3A_38] : memref<128x144xf32, #tpu.memory_space<vmem>> -> memref<120x144xf32, #tpu.memory_space<vmem>>
      tpu.wait_dma2 semaphore(%run_scoped3A : memref<!tpu.dma_semaphore, #tpu.memory_space<semaphore_mem>>) src(%dma_wait3A_39 : memref<120x144xf32, #tpu.memory_space<vmem>>) dst(%dma_wait3A_36 : memref<120x144xf32, #tpu.memory_space<vmem_shared>>)
      tpu.yield
    }) : () -> ()
    %barrier3A = arith.constant 0 : index
    tpu.barrier barrier_id(%barrier3A)
    %mul3A_14 = arith.constant 10112 : i32
    %mul3A_15 = arith.muli %add3A, %mul3A_14 : i32
    %scan3A_16 = arith.constant 0 : i32
    %scan3A_17 = arith.constant 79 : i32
    %scan3A_18 = arith.addi %scan3A_16, %scan3A_17 : i32
    %scan3A_19 = arith.constant 1 : i32
    scf.for %scan3A_22 = %scan3A_16 to %scan3A_18 step %scan3A_19  : i32 {
      %mul3A_23 = arith.constant 128 : i32
      %mul3A_24 = arith.muli %scan3A_22, %mul3A_23 : i32
      %add3A_25 = arith.constant 0 : i32
      %add3A_26 = arith.addi %add3A_25, %mul3A_24 : i32
      %add3A_27 = arith.addi %mul3A_15, %add3A_26 : i32
      "tpu.region"() ({
        %run_scoped3A = tpu.sem_alloc : memref<!tpu.dma_semaphore, #tpu.memory_space<semaphore_mem>>
        %dma_start3A_43 = tpu.memref_slice %arg4[%add3A_27] : memref<323584xi32, #tpu.memory_space<hbm>> -> memref<128xi32, #tpu.memory_space<hbm>>
        %dma_start3A_44 = tpu.memref_slice %arg4[%add3A_27] : memref<323584xi32, #tpu.memory_space<hbm>> -> memref<128xi32, #tpu.memory_space<hbm>>
        tpu.enqueue_dma source(%dma_start3A_44 : memref<128xi32, #tpu.memory_space<hbm>>) target(%arg10 : memref<128xi32, #tpu.memory_space<vmem>>) target_semaphore(%run_scoped3A : memref<!tpu.dma_semaphore, #tpu.memory_space<semaphore_mem>>)
        %dma_wait3A_45 = tpu.memref_slice %arg4[%add3A_27] : memref<323584xi32, #tpu.memory_space<hbm>> -> memref<128xi32, #tpu.memory_space<hbm>>
        %dma_wait3A_46 = tpu.memref_slice %arg4[%add3A_27] : memref<323584xi32, #tpu.memory_space<hbm>> -> memref<128xi32, #tpu.memory_space<hbm>>
        tpu.wait_dma2 semaphore(%run_scoped3A : memref<!tpu.dma_semaphore, #tpu.memory_space<semaphore_mem>>) src(%dma_wait3A_46 : memref<128xi32, #tpu.memory_space<hbm>>) dst(%arg10 : memref<128xi32, #tpu.memory_space<vmem>>)
        tpu.yield
      }) : () -> ()
      "tpu.region"() ({
        %run_scoped3A = tpu.sem_alloc : memref<!tpu.dma_semaphore, #tpu.memory_space<semaphore_mem>>
        %dma_start3A_43 = tpu.memref_slice %arg5[%add3A_27] : memref<323584xi32, #tpu.memory_space<hbm>> -> memref<128xi32, #tpu.memory_space<hbm>>
        %dma_start3A_44 = tpu.memref_slice %arg5[%add3A_27] : memref<323584xi32, #tpu.memory_space<hbm>> -> memref<128xi32, #tpu.memory_space<hbm>>
        tpu.enqueue_dma source(%dma_start3A_44 : memref<128xi32, #tpu.memory_space<hbm>>) target(%arg11 : memref<128xi32, #tpu.memory_space<vmem>>) target_semaphore(%run_scoped3A : memref<!tpu.dma_semaphore, #tpu.memory_space<semaphore_mem>>)
        %dma_wait3A_45 = tpu.memref_slice %arg5[%add3A_27] : memref<323584xi32, #tpu.memory_space<hbm>> -> memref<128xi32, #tpu.memory_space<hbm>>
        %dma_wait3A_46 = tpu.memref_slice %arg5[%add3A_27] : memref<323584xi32, #tpu.memory_space<hbm>> -> memref<128xi32, #tpu.memory_space<hbm>>
        tpu.wait_dma2 semaphore(%run_scoped3A : memref<!tpu.dma_semaphore, #tpu.memory_space<semaphore_mem>>) src(%dma_wait3A_46 : memref<128xi32, #tpu.memory_space<hbm>>) dst(%arg11 : memref<128xi32, #tpu.memory_space<vmem>>)
        tpu.yield
      }) : () -> ()
      %dma_start3A = arith.constant 0 : i32
      %dma_start3A_28 = arith.constant 0 : i32
      %dma_start3A_29 = tpu.memref_slice %arg2[%dma_start3A, %dma_start3A_28] : memref<10112x144xf32, #tpu.memory_space<hbm>> -> memref<10112x144xf32, #tpu.memory_space<hbm>>
      tpu.enqueue_indirect_dma source(%dma_start3A_29 : memref<10112x144xf32, #tpu.memory_space<hbm>>) target(%arg7 : memref<128x144xf32, #tpu.memory_space<vmem>>) offsets(%arg10 : memref<128xi32, #tpu.memory_space<vmem>>) semaphore(%arg13 : memref<!tpu.dma_semaphore, #tpu.memory_space<semaphore_mem>>)
      %dma_start3A_30 = arith.constant 0 : i32
      %dma_start3A_31 = arith.constant 0 : i32
      %dma_start3A_32 = tpu.memref_slice %arg3[%dma_start3A_30, %dma_start3A_31] : memref<10112x16xf32, #tpu.memory_space<hbm>> -> memref<10112x16xf32, #tpu.memory_space<hbm>>
      tpu.enqueue_indirect_dma source(%dma_start3A_32 : memref<10112x16xf32, #tpu.memory_space<hbm>>) target(%arg8 : memref<128x16xf32, #tpu.memory_space<vmem>>) offsets(%arg11 : memref<128xi32, #tpu.memory_space<vmem>>) semaphore(%arg14 : memref<!tpu.dma_semaphore, #tpu.memory_space<semaphore_mem>>)
      %dma_wait3A = arith.constant 0 : i32
      %dma_wait3A_33 = arith.constant 0 : i32
      %dma_wait3A_34 = tpu.memref_slice %arg2[%dma_wait3A, %dma_wait3A_33] : memref<10112x144xf32, #tpu.memory_space<hbm>> -> memref<10112x144xf32, #tpu.memory_space<hbm>>
      tpu.wait_indirect_dma semaphore(%arg13 : memref<!tpu.dma_semaphore, #tpu.memory_space<semaphore_mem>>) src(%dma_wait3A_34 : memref<10112x144xf32, #tpu.memory_space<hbm>>) dst(%arg7 : memref<128x144xf32, #tpu.memory_space<vmem>>)
      %dma_wait3A_35 = arith.constant 0 : i32
      %dma_wait3A_36 = arith.constant 0 : i32
      %dma_wait3A_37 = tpu.memref_slice %arg3[%dma_wait3A_35, %dma_wait3A_36] : memref<10112x16xf32, #tpu.memory_space<hbm>> -> memref<10112x16xf32, #tpu.memory_space<hbm>>
      tpu.wait_indirect_dma semaphore(%arg14 : memref<!tpu.dma_semaphore, #tpu.memory_space<semaphore_mem>>) src(%dma_wait3A_37 : memref<10112x16xf32, #tpu.memory_space<hbm>>) dst(%arg8 : memref<128x16xf32, #tpu.memory_space<vmem>>)
      %scan3A_38 = arith.constant 0 : i32
      %scan3A_39 = arith.constant 128 : i32
      %scan3A_40 = arith.addi %scan3A_38, %scan3A_39 : i32
      %scan3A_41 = arith.constant 1 : i32
      scf.for %scan3A_43 = %scan3A_38 to %scan3A_40 step %scan3A_41  : i32 {
        %mul3A_44 = arith.constant 1 : i32
        %mul3A_45 = arith.muli %scan3A_43, %mul3A_44 : i32
        %add3A_46 = arith.constant 0 : i32
        %add3A_47 = arith.addi %add3A_46, %mul3A_45 : i32
        %get3A = arith.index_cast %add3A_47 : i32 to index
        %get3A_48 = arith.constant 128 : index
        %get3A_49 = tpu.vector_load %arg7[%get3A, %get3A_48] {strides = array<i32>} : memref<128x144xf32, #tpu.memory_space<vmem>>, vector<1x16xf32>,
        %get3A_50 = vector.shape_cast %get3A_49 : vector<1x16xf32> to vector<16xf32>
        %get3A_51 = arith.index_cast %add3A_47 : i32 to index
        %get3A_52 = arith.constant 0 : index
        %get3A_53 = tpu.vector_load %arg8[%get3A_51, %get3A_52] {strides = array<i32>} : memref<128x16xf32, #tpu.memory_space<vmem>>, vector<1x16xf32>,
        %get3A_54 = vector.shape_cast %get3A_53 : vector<1x16xf32> to vector<16xf32>
        %add3A_55 = arith.addf %get3A_50, %get3A_54 : vector<16xf32>
        %mul3A_56 = arith.constant 2.000000e-01 : f32
        %mul3A_57 = vector.broadcast %mul3A_56 : f32 to vector<16xf32>
        %mul3A_58 = arith.mulf %add3A_55, %mul3A_57 : vector<16xf32>
        %max3A = arith.maximumf %add3A_55, %mul3A_58 : vector<16xf32>
        %exp3A = math.exp %max3A : vector<16xf32>
        %swap3A = arith.index_cast %add3A_47 : i32 to index
        %swap3A_59 = arith.constant 128 : index
        %swap3A_60 = tpu.vector_load %arg9[%swap3A, %swap3A_59] {strides = array<i32>} : memref<128x144xf32, #tpu.memory_space<vmem>>, vector<1x16xf32>,
        %swap3A_61 = vector.shape_cast %swap3A_60 : vector<1x16xf32> to vector<16xf32>
        %swap3A_62 = vector.shape_cast %exp3A : vector<16xf32> to vector<1x16xf32>
        tpu.vector_store %arg9[%swap3A, %swap3A_59], %swap3A_62 {strides = array<i32>} : memref<128x144xf32, #tpu.memory_space<vmem>>, vector<1x16xf32>,
        %get3A_63 = arith.index_cast %add3A_47 : i32 to index
        %get3A_64 = arith.constant 0 : index
        %get3A_65 = tpu.vector_load %arg7[%get3A_63, %get3A_64] {strides = array<i32>} : memref<128x144xf32, #tpu.memory_space<vmem>>, vector<1x16xf32>,
        %get3A_66 = vector.shape_cast %get3A_65 : vector<1x16xf32> to vector<16xf32>
        %mul3A_67 = arith.mulf %get3A_66, %exp3A : vector<16xf32>
        %swap3A_68 = arith.index_cast %add3A_47 : i32 to index
        %swap3A_69 = arith.constant 0 : index
        %swap3A_70 = tpu.vector_load %arg9[%swap3A_68, %swap3A_69] {strides = array<i32>} : memref<128x144xf32, #tpu.memory_space<vmem>>, vector<1x16xf32>,
        %swap3A_71 = vector.shape_cast %swap3A_70 : vector<1x16xf32> to vector<16xf32>
        %swap3A_72 = vector.shape_cast %mul3A_67 : vector<16xf32> to vector<1x16xf32>
        tpu.vector_store %arg9[%swap3A_68, %swap3A_69], %swap3A_72 {strides = array<i32>} : memref<128x144xf32, #tpu.memory_space<vmem>>, vector<1x16xf32>,
        %get3A_73 = arith.index_cast %add3A_47 : i32 to index
        %get3A_74 = arith.constant 16 : index
        %get3A_75 = tpu.vector_load %arg7[%get3A_73, %get3A_74] {strides = array<i32>} : memref<128x144xf32, #tpu.memory_space<vmem>>, vector<1x16xf32>,
        %get3A_76 = vector.shape_cast %get3A_75 : vector<1x16xf32> to vector<16xf32>
        %mul3A_77 = arith.mulf %get3A_76, %exp3A : vector<16xf32>
        %swap3A_78 = arith.index_cast %add3A_47 : i32 to index
        %swap3A_79 = arith.constant 16 : index
        %swap3A_80 = tpu.vector_load %arg9[%swap3A_78, %swap3A_79] {strides = array<i32>} : memref<128x144xf32, #tpu.memory_space<vmem>>, vector<1x16xf32>,
        %swap3A_81 = vector.shape_cast %swap3A_80 : vector<1x16xf32> to vector<16xf32>
        %swap3A_82 = vector.shape_cast %mul3A_77 : vector<16xf32> to vector<1x16xf32>
        tpu.vector_store %arg9[%swap3A_78, %swap3A_79], %swap3A_82 {strides = array<i32>} : memref<128x144xf32, #tpu.memory_space<vmem>>, vector<1x16xf32>,
        %get3A_83 = arith.index_cast %add3A_47 : i32 to index
        %get3A_84 = arith.constant 32 : index
        %get3A_85 = tpu.vector_load %arg7[%get3A_83, %get3A_84] {strides = array<i32>} : memref<128x144xf32, #tpu.memory_space<vmem>>, vector<1x16xf32>,
        %get3A_86 = vector.shape_cast %get3A_85 : vector<1x16xf32> to vector<16xf32>
        %mul3A_87 = arith.mulf %get3A_86, %exp3A : vector<16xf32>
        %swap3A_88 = arith.index_cast %add3A_47 : i32 to index
        %swap3A_89 = arith.constant 32 : index
        %swap3A_90 = tpu.vector_load %arg9[%swap3A_88, %swap3A_89] {strides = array<i32>} : memref<128x144xf32, #tpu.memory_space<vmem>>, vector<1x16xf32>,
        %swap3A_91 = vector.shape_cast %swap3A_90 : vector<1x16xf32> to vector<16xf32>
        %swap3A_92 = vector.shape_cast %mul3A_87 : vector<16xf32> to vector<1x16xf32>
        tpu.vector_store %arg9[%swap3A_88, %swap3A_89], %swap3A_92 {strides = array<i32>} : memref<128x144xf32, #tpu.memory_space<vmem>>, vector<1x16xf32>,
        %get3A_93 = arith.index_cast %add3A_47 : i32 to index
        %get3A_94 = arith.constant 48 : index
        %get3A_95 = tpu.vector_load %arg7[%get3A_93, %get3A_94] {strides = array<i32>} : memref<128x144xf32, #tpu.memory_space<vmem>>, vector<1x16xf32>,
        %get3A_96 = vector.shape_cast %get3A_95 : vector<1x16xf32> to vector<16xf32>
        %mul3A_97 = arith.mulf %get3A_96, %exp3A : vector<16xf32>
        %swap3A_98 = arith.index_cast %add3A_47 : i32 to index
        %swap3A_99 = arith.constant 48 : index
        %swap3A_100 = tpu.vector_load %arg9[%swap3A_98, %swap3A_99] {strides = array<i32>} : memref<128x144xf32, #tpu.memory_space<vmem>>, vector<1x16xf32>,
        %swap3A_101 = vector.shape_cast %swap3A_100 : vector<1x16xf32> to vector<16xf32>
        %swap3A_102 = vector.shape_cast %mul3A_97 : vector<16xf32> to vector<1x16xf32>
        tpu.vector_store %arg9[%swap3A_98, %swap3A_99], %swap3A_102 {strides = array<i32>} : memref<128x144xf32, #tpu.memory_space<vmem>>, vector<1x16xf32>,
        %get3A_103 = arith.index_cast %add3A_47 : i32 to index
        %get3A_104 = arith.constant 64 : index
        %get3A_105 = tpu.vector_load %arg7[%get3A_103, %get3A_104] {strides = array<i32>} : memref<128x144xf32, #tpu.memory_space<vmem>>, vector<1x16xf32>,
        %get3A_106 = vector.shape_cast %get3A_105 : vector<1x16xf32> to vector<16xf32>
        %mul3A_107 = arith.mulf %get3A_106, %exp3A : vector<16xf32>
        %swap3A_108 = arith.index_cast %add3A_47 : i32 to index
        %swap3A_109 = arith.constant 64 : index
        %swap3A_110 = tpu.vector_load %arg9[%swap3A_108, %swap3A_109] {strides = array<i32>} : memref<128x144xf32, #tpu.memory_space<vmem>>, vector<1x16xf32>,
        %swap3A_111 = vector.shape_cast %swap3A_110 : vector<1x16xf32> to vector<16xf32>
        %swap3A_112 = vector.shape_cast %mul3A_107 : vector<16xf32> to vector<1x16xf32>
        tpu.vector_store %arg9[%swap3A_108, %swap3A_109], %swap3A_112 {strides = array<i32>} : memref<128x144xf32, #tpu.memory_space<vmem>>, vector<1x16xf32>,
        %get3A_113 = arith.index_cast %add3A_47 : i32 to index
        %get3A_114 = arith.constant 80 : index
        %get3A_115 = tpu.vector_load %arg7[%get3A_113, %get3A_114] {strides = array<i32>} : memref<128x144xf32, #tpu.memory_space<vmem>>, vector<1x16xf32>,
        %get3A_116 = vector.shape_cast %get3A_115 : vector<1x16xf32> to vector<16xf32>
        %mul3A_117 = arith.mulf %get3A_116, %exp3A : vector<16xf32>
        %swap3A_118 = arith.index_cast %add3A_47 : i32 to index
        %swap3A_119 = arith.constant 80 : index
        %swap3A_120 = tpu.vector_load %arg9[%swap3A_118, %swap3A_119] {strides = array<i32>} : memref<128x144xf32, #tpu.memory_space<vmem>>, vector<1x16xf32>,
        %swap3A_121 = vector.shape_cast %swap3A_120 : vector<1x16xf32> to vector<16xf32>
        %swap3A_122 = vector.shape_cast %mul3A_117 : vector<16xf32> to vector<1x16xf32>
        tpu.vector_store %arg9[%swap3A_118, %swap3A_119], %swap3A_122 {strides = array<i32>} : memref<128x144xf32, #tpu.memory_space<vmem>>, vector<1x16xf32>,
        %get3A_123 = arith.index_cast %add3A_47 : i32 to index
        %get3A_124 = arith.constant 96 : index
        %get3A_125 = tpu.vector_load %arg7[%get3A_123, %get3A_124] {strides = array<i32>} : memref<128x144xf32, #tpu.memory_space<vmem>>, vector<1x16xf32>,
        %get3A_126 = vector.shape_cast %get3A_125 : vector<1x16xf32> to vector<16xf32>
        %mul3A_127 = arith.mulf %get3A_126, %exp3A : vector<16xf32>
        %swap3A_128 = arith.index_cast %add3A_47 : i32 to index
        %swap3A_129 = arith.constant 96 : index
        %swap3A_130 = tpu.vector_load %arg9[%swap3A_128, %swap3A_129] {strides = array<i32>} : memref<128x144xf32, #tpu.memory_space<vmem>>, vector<1x16xf32>,
        %swap3A_131 = vector.shape_cast %swap3A_130 : vector<1x16xf32> to vector<16xf32>
        %swap3A_132 = vector.shape_cast %mul3A_127 : vector<16xf32> to vector<1x16xf32>
        tpu.vector_store %arg9[%swap3A_128, %swap3A_129], %swap3A_132 {strides = array<i32>} : memref<128x144xf32, #tpu.memory_space<vmem>>, vector<1x16xf32>,
        %get3A_133 = arith.index_cast %add3A_47 : i32 to index
        %get3A_134 = arith.constant 112 : index
        %get3A_135 = tpu.vector_load %arg7[%get3A_133, %get3A_134] {strides = array<i32>} : memref<128x144xf32, #tpu.memory_space<vmem>>, vector<1x16xf32>,
        %get3A_136 = vector.shape_cast %get3A_135 : vector<1x16xf32> to vector<16xf32>
        %mul3A_137 = arith.mulf %get3A_136, %exp3A : vector<16xf32>
        %swap3A_138 = arith.index_cast %add3A_47 : i32 to index
        %swap3A_139 = arith.constant 112 : index
        %swap3A_140 = tpu.vector_load %arg9[%swap3A_138, %swap3A_139] {strides = array<i32>} : memref<128x144xf32, #tpu.memory_space<vmem>>, vector<1x16xf32>,
        %swap3A_141 = vector.shape_cast %swap3A_140 : vector<1x16xf32> to vector<16xf32>
        %swap3A_142 = vector.shape_cast %mul3A_137 : vector<16xf32> to vector<1x16xf32>
        tpu.vector_store %arg9[%swap3A_138, %swap3A_139], %swap3A_142 {strides = array<i32>} : memref<128x144xf32, #tpu.memory_space<vmem>>, vector<1x16xf32>,
      }
      %scan3A_42 = arith.constant 128 : i32
      "tpu.region"() ({
        %run_scoped3A = tpu.sem_alloc : memref<!tpu.dma_semaphore, #tpu.memory_space<semaphore_mem>>
        %dma_start3A_43 = arith.constant 0 : i32
        %dma_start3A_44 = arith.constant 0 : i32
        %dma_start3A_45 = tpu.memref_slice %arg12[%dma_start3A_43, %dma_start3A_44] : memref<10112x144xf32, #tpu.memory_space<vmem_shared>> -> memref<10112x144xf32, #tpu.memory_space<vmem_shared>>
        tpu.enqueue_indirect_dma source(%arg9 : memref<128x144xf32, #tpu.memory_space<vmem>>) target(%dma_start3A_45 : memref<10112x144xf32, #tpu.memory_space<vmem_shared>>) offsets(%arg11 : memref<128xi32, #tpu.memory_space<vmem>>) semaphore(%run_scoped3A : memref<!tpu.dma_semaphore, #tpu.memory_space<semaphore_mem>>) {add = true}
        %dma_wait3A_46 = arith.constant 0 : i32
        %dma_wait3A_47 = arith.constant 0 : i32
        %dma_wait3A_48 = tpu.memref_slice %arg12[%dma_wait3A_46, %dma_wait3A_47] : memref<10112x144xf32, #tpu.memory_space<vmem_shared>> -> memref<10112x144xf32, #tpu.memory_space<vmem_shared>>
        tpu.wait_indirect_dma semaphore(%run_scoped3A : memref<!tpu.dma_semaphore, #tpu.memory_space<semaphore_mem>>) src(%arg9 : memref<128x144xf32, #tpu.memory_space<vmem>>) dst(%dma_wait3A_48 : memref<10112x144xf32, #tpu.memory_space<vmem_shared>>)
        tpu.yield
      }) : () -> ()
    }
    %scan3A_20 = arith.constant 79 : i32
    %barrier3A_21 = arith.constant 0 : index
    tpu.barrier barrier_id(%barrier3A_21)
    "tpu.region"() ({
      %run_scoped3A = tpu.sem_alloc : memref<!tpu.dma_semaphore, #tpu.memory_space<semaphore_mem>>
      %dma_start3A = arith.constant 0 : i32
      %dma_start3A_22 = tpu.memref_slice %arg6[%arg0, %mul3A_2, %dma_start3A] : memref<2x10112x144xf32, #tpu.memory_space<hbm>> -> memref<1x632x144xf32, #tpu.memory_space<hbm>>
      %dma_start3A_23 = tpu.memref_squeeze %dma_start3A_22 : memref<1x632x144xf32, #tpu.memory_space<hbm>> -> memref<632x144xf32, #tpu.memory_space<hbm>>
      %dma_start3A_24 = arith.constant 0 : i32
      %dma_start3A_25 = tpu.memref_slice %arg12[%mul3A_2, %dma_start3A_24] : memref<10112x144xf32, #tpu.memory_space<vmem_shared>> -> memref<632x144xf32, #tpu.memory_space<vmem_shared>>
      tpu.enqueue_dma source(%dma_start3A_25 : memref<632x144xf32, #tpu.memory_space<vmem_shared>>) target(%dma_start3A_23 : memref<632x144xf32, #tpu.memory_space<hbm>>) target_semaphore(%run_scoped3A : memref<!tpu.dma_semaphore, #tpu.memory_space<semaphore_mem>>)
      %dma_wait3A = arith.constant 0 : i32
      %dma_wait3A_26 = tpu.memref_slice %arg6[%arg0, %mul3A_2, %dma_wait3A] : memref<2x10112x144xf32, #tpu.memory_space<hbm>> -> memref<1x632x144xf32, #tpu.memory_space<hbm>>
      %dma_wait3A_27 = tpu.memref_squeeze %dma_wait3A_26 : memref<1x632x144xf32, #tpu.memory_space<hbm>> -> memref<632x144xf32, #tpu.memory_space<hbm>>
      %dma_wait3A_28 = arith.constant 0 : i32
      %dma_wait3A_29 = tpu.memref_slice %arg12[%mul3A_2, %dma_wait3A_28] : memref<10112x144xf32, #tpu.memory_space<vmem_shared>> -> memref<632x144xf32, #tpu.memory_space<vmem_shared>>
      tpu.wait_dma2 semaphore(%run_scoped3A : memref<!tpu.dma_semaphore, #tpu.memory_space<semaphore_mem>>) src(%dma_wait3A_29 : memref<632x144xf32, #tpu.memory_space<vmem_shared>>) dst(%dma_wait3A_27 : memref<632x144xf32, #tpu.memory_space<hbm>>)
      tpu.yield
    }) : () -> ()
    return
  }
}

#map = affine_map<(d0, d1) -> (0, 0)>
#map1 = affine_map<(d0, d1) -> (0)>
#map2 = affine_map<(d0, d1) -> (0, 0, 0)>
module attributes {stable_mosaic.version = 14 : i64} {
  func.func @edge_kernel(%arg0: i32, %arg1: i32, %arg2: memref<10112x80xf32, #tpu.memory_space<hbm>>, %arg3: memref<10112x16xf32, #tpu.memory_space<hbm>>, %arg4: memref<323584xi32, #tpu.memory_space<hbm>>, %arg5: memref<323584xi32, #tpu.memory_space<hbm>>, %arg6: memref<2x10112x80xf32, #tpu.memory_space<hbm>>, %arg7: memref<128x80xf32, #tpu.memory_space<vmem>>, %arg8: memref<128x16xf32, #tpu.memory_space<vmem>>, %arg9: memref<128x80xf32, #tpu.memory_space<vmem>>, %arg10: memref<128xi32, #tpu.memory_space<vmem>>, %arg11: memref<128xi32, #tpu.memory_space<vmem>>, %arg12: memref<10112x80xf32, #tpu.memory_space<vmem_shared>>, %arg13: memref<!tpu.dma_semaphore, #tpu.memory_space<semaphore_mem>>, %arg14: memref<!tpu.dma_semaphore, #tpu.memory_space<semaphore_mem>>) attributes {dimension_semantics = [#tpu.dimension_semantics<core_parallel>, #tpu.dimension_semantics<subcore_parallel>], iteration_bounds = array<i64: 2, 16>, scalar_prefetch = 0 : i64, scratch_operands = 8 : i64, tpu.core_type = #tpu.core_type<sc_vector_subcore>, window_params = [{transform_indices = #map}, {transform_indices = #map}, {transform_indices = #map1}, {transform_indices = #map1}, {transform_indices = #map2}]} {
    %mul3A = arith.constant 2 : i32
    %mul3A_0 = arith.muli %arg1, %mul3A : i32
    %add3A = arith.addi %mul3A_0, %arg0 : i32
    %mul3A_1 = arith.constant 632 : i32
    %mul3A_2 = arith.muli %arg1, %mul3A_1 : i32
    %scan3A = arith.constant 0 : i32
    %scan3A_3 = arith.constant 128 : i32
    %scan3A_4 = arith.addi %scan3A, %scan3A_3 : i32
    %scan3A_5 = arith.constant 1 : i32
    scf.for %scan3A_36 = %scan3A to %scan3A_4 step %scan3A_5  : i32 {
      %mul3A_37 = arith.constant 1 : i32
      %mul3A_38 = arith.muli %scan3A_36, %mul3A_37 : i32
      %add3A_39 = arith.constant 0 : i32
      %add3A_40 = arith.addi %add3A_39, %mul3A_38 : i32
      %scan3A_41 = arith.constant 0 : i32
      %scan3A_42 = arith.constant 5 : i32
      %scan3A_43 = arith.addi %scan3A_41, %scan3A_42 : i32
      %scan3A_44 = arith.constant 1 : i32
      scf.for %scan3A_46 = %scan3A_41 to %scan3A_43 step %scan3A_44  : i32 {
        %mul3A_47 = arith.constant 16 : i32
        %mul3A_48 = arith.muli %scan3A_46, %mul3A_47 : i32
        %add3A_49 = arith.constant 0 : i32
        %add3A_50 = arith.addi %add3A_49, %mul3A_48 : i32
        %broadcast_in_dim3A = arith.constant 0.000000e+00 : f32
        %broadcast_in_dim3A_51 = vector.broadcast %broadcast_in_dim3A : f32 to vector<16xf32>
        %swap3A = arith.index_cast %add3A_40 : i32 to index
        %swap3A_52 = arith.index_cast %add3A_50 : i32 to index
        %swap3A_53 = tpu.vector_load %arg9[%swap3A, %swap3A_52] {strides = array<i32>} : memref<128x80xf32, #tpu.memory_space<vmem>>, vector<1x16xf32>,
        %swap3A_54 = vector.shape_cast %swap3A_53 : vector<1x16xf32> to vector<16xf32>
        %swap3A_55 = vector.shape_cast %broadcast_in_dim3A_51 : vector<16xf32> to vector<1x16xf32>
        tpu.vector_store %arg9[%swap3A, %swap3A_52], %swap3A_55 {strides = array<i32>} : memref<128x80xf32, #tpu.memory_space<vmem>>, vector<1x16xf32>,
      }
      %scan3A_45 = arith.constant 5 : i32
    }
    %scan3A_6 = arith.constant 128 : i32
    %scan3A_7 = arith.constant 0 : i32
    %scan3A_8 = arith.constant 4 : i32
    %scan3A_9 = arith.addi %scan3A_7, %scan3A_8 : i32
    %scan3A_10 = arith.constant 1 : i32
    scf.for %scan3A_36 = %scan3A_7 to %scan3A_9 step %scan3A_10  : i32 {
      %mul3A_37 = arith.constant 128 : i32
      %mul3A_38 = arith.muli %scan3A_36, %mul3A_37 : i32
      %add3A_39 = arith.constant 0 : i32
      %add3A_40 = arith.addi %add3A_39, %mul3A_38 : i32
      %add3A_41 = arith.addi %mul3A_2, %add3A_40 : i32
      "tpu.region"() ({
        %run_scoped3A = tpu.sem_alloc : memref<!tpu.dma_semaphore, #tpu.memory_space<semaphore_mem>>
        %dma_start3A = arith.constant 0 : i32
        %dma_start3A_42 = tpu.memref_slice %arg12[%add3A_41, %dma_start3A] : memref<10112x80xf32, #tpu.memory_space<vmem_shared>> -> memref<128x80xf32, #tpu.memory_space<vmem_shared>>
        %dma_start3A_43 = arith.constant 0 : i32
        %dma_start3A_44 = tpu.memref_slice %arg12[%add3A_41, %dma_start3A_43] : memref<10112x80xf32, #tpu.memory_space<vmem_shared>> -> memref<128x80xf32, #tpu.memory_space<vmem_shared>>
        tpu.enqueue_dma source(%arg9 : memref<128x80xf32, #tpu.memory_space<vmem>>) target(%dma_start3A_44 : memref<128x80xf32, #tpu.memory_space<vmem_shared>>) target_semaphore(%run_scoped3A : memref<!tpu.dma_semaphore, #tpu.memory_space<semaphore_mem>>)
        %dma_wait3A = arith.constant 0 : i32
        %dma_wait3A_45 = tpu.memref_slice %arg12[%add3A_41, %dma_wait3A] : memref<10112x80xf32, #tpu.memory_space<vmem_shared>> -> memref<128x80xf32, #tpu.memory_space<vmem_shared>>
        %dma_wait3A_46 = arith.constant 0 : i32
        %dma_wait3A_47 = tpu.memref_slice %arg12[%add3A_41, %dma_wait3A_46] : memref<10112x80xf32, #tpu.memory_space<vmem_shared>> -> memref<128x80xf32, #tpu.memory_space<vmem_shared>>
        tpu.wait_dma2 semaphore(%run_scoped3A : memref<!tpu.dma_semaphore, #tpu.memory_space<semaphore_mem>>) src(%arg9 : memref<128x80xf32, #tpu.memory_space<vmem>>) dst(%dma_wait3A_47 : memref<128x80xf32, #tpu.memory_space<vmem_shared>>)
        tpu.yield
      }) : () -> ()
    }
    %scan3A_11 = arith.constant 4 : i32
    %add3A_12 = arith.constant 512 : i32
    %add3A_13 = arith.addi %mul3A_2, %add3A_12 : i32
    "tpu.region"() ({
      %run_scoped3A = tpu.sem_alloc : memref<!tpu.dma_semaphore, #tpu.memory_space<semaphore_mem>>
      %dma_start3A = arith.constant 0 : i32
      %dma_start3A_36 = arith.constant 0 : i32
      %dma_start3A_37 = tpu.memref_slice %arg9[%dma_start3A, %dma_start3A_36] : memref<128x80xf32, #tpu.memory_space<vmem>> -> memref<120x80xf32, #tpu.memory_space<vmem>>
      %dma_start3A_38 = arith.constant 0 : i32
      %dma_start3A_39 = tpu.memref_slice %arg12[%add3A_13, %dma_start3A_38] : memref<10112x80xf32, #tpu.memory_space<vmem_shared>> -> memref<120x80xf32, #tpu.memory_space<vmem_shared>>
      %dma_start3A_40 = arith.constant 0 : i32
      %dma_start3A_41 = tpu.memref_slice %arg12[%add3A_13, %dma_start3A_40] : memref<10112x80xf32, #tpu.memory_space<vmem_shared>> -> memref<120x80xf32, #tpu.memory_space<vmem_shared>>
      %dma_start3A_42 = arith.constant 0 : i32
      %dma_start3A_43 = arith.constant 0 : i32
      %dma_start3A_44 = tpu.memref_slice %arg9[%dma_start3A_42, %dma_start3A_43] : memref<128x80xf32, #tpu.memory_space<vmem>> -> memref<120x80xf32, #tpu.memory_space<vmem>>
      tpu.enqueue_dma source(%dma_start3A_44 : memref<120x80xf32, #tpu.memory_space<vmem>>) target(%dma_start3A_41 : memref<120x80xf32, #tpu.memory_space<vmem_shared>>) target_semaphore(%run_scoped3A : memref<!tpu.dma_semaphore, #tpu.memory_space<semaphore_mem>>)
      %dma_wait3A = arith.constant 0 : i32
      %dma_wait3A_45 = arith.constant 0 : i32
      %dma_wait3A_46 = tpu.memref_slice %arg9[%dma_wait3A, %dma_wait3A_45] : memref<128x80xf32, #tpu.memory_space<vmem>> -> memref<120x80xf32, #tpu.memory_space<vmem>>
      %dma_wait3A_47 = arith.constant 0 : i32
      %dma_wait3A_48 = tpu.memref_slice %arg12[%add3A_13, %dma_wait3A_47] : memref<10112x80xf32, #tpu.memory_space<vmem_shared>> -> memref<120x80xf32, #tpu.memory_space<vmem_shared>>
      %dma_wait3A_49 = arith.constant 0 : i32
      %dma_wait3A_50 = tpu.memref_slice %arg12[%add3A_13, %dma_wait3A_49] : memref<10112x80xf32, #tpu.memory_space<vmem_shared>> -> memref<120x80xf32, #tpu.memory_space<vmem_shared>>
      %dma_wait3A_51 = arith.constant 0 : i32
      %dma_wait3A_52 = arith.constant 0 : i32
      %dma_wait3A_53 = tpu.memref_slice %arg9[%dma_wait3A_51, %dma_wait3A_52] : memref<128x80xf32, #tpu.memory_space<vmem>> -> memref<120x80xf32, #tpu.memory_space<vmem>>
      tpu.wait_dma2 semaphore(%run_scoped3A : memref<!tpu.dma_semaphore, #tpu.memory_space<semaphore_mem>>) src(%dma_wait3A_53 : memref<120x80xf32, #tpu.memory_space<vmem>>) dst(%dma_wait3A_50 : memref<120x80xf32, #tpu.memory_space<vmem_shared>>)
      tpu.yield
    }) : () -> ()
    %barrier3A = arith.constant 0 : index
    tpu.barrier barrier_id(%barrier3A)
    %iota3A = tpu.iota {dimensions = array<i32: 0>} : vector<16xi32>
    %shift_right_arithmetic3A = arith.constant 3 : i32
    %shift_right_arithmetic3A_14 = vector.broadcast %shift_right_arithmetic3A : i32 to vector<16xi32>
    %shift_right_arithmetic3A_15 = arith.shrsi %iota3A, %shift_right_arithmetic3A_14 : vector<16xi32>
    %add3A_16 = arith.constant 0 : i32
    %add3A_17 = vector.broadcast %add3A_16 : i32 to vector<16xi32>
    %add3A_18 = arith.addi %shift_right_arithmetic3A_15, %add3A_17 : vector<16xi32>
    %add3A_19 = arith.constant 2 : i32
    %add3A_20 = vector.broadcast %add3A_19 : i32 to vector<16xi32>
    %add3A_21 = arith.addi %shift_right_arithmetic3A_15, %add3A_20 : vector<16xi32>
    %add3A_22 = arith.constant 4 : i32
    %add3A_23 = vector.broadcast %add3A_22 : i32 to vector<16xi32>
    %add3A_24 = arith.addi %shift_right_arithmetic3A_15, %add3A_23 : vector<16xi32>
    %add3A_25 = arith.constant 6 : i32
    %add3A_26 = vector.broadcast %add3A_25 : i32 to vector<16xi32>
    %add3A_27 = arith.addi %shift_right_arithmetic3A_15, %add3A_26 : vector<16xi32>
    %mul3A_28 = arith.constant 10112 : i32
    %mul3A_29 = arith.muli %add3A, %mul3A_28 : i32
    %scan3A_30 = arith.constant 0 : i32
    %scan3A_31 = arith.constant 79 : i32
    %scan3A_32 = arith.addi %scan3A_30, %scan3A_31 : i32
    %scan3A_33 = arith.constant 1 : i32
    scf.for %scan3A_36 = %scan3A_30 to %scan3A_32 step %scan3A_33  : i32 {
      %mul3A_37 = arith.constant 128 : i32
      %mul3A_38 = arith.muli %scan3A_36, %mul3A_37 : i32
      %add3A_39 = arith.constant 0 : i32
      %add3A_40 = arith.addi %add3A_39, %mul3A_38 : i32
      %add3A_41 = arith.addi %mul3A_29, %add3A_40 : i32
      "tpu.region"() ({
        %run_scoped3A = tpu.sem_alloc : memref<!tpu.dma_semaphore, #tpu.memory_space<semaphore_mem>>
        %dma_start3A_57 = tpu.memref_slice %arg4[%add3A_41] : memref<323584xi32, #tpu.memory_space<hbm>> -> memref<128xi32, #tpu.memory_space<hbm>>
        %dma_start3A_58 = tpu.memref_slice %arg4[%add3A_41] : memref<323584xi32, #tpu.memory_space<hbm>> -> memref<128xi32, #tpu.memory_space<hbm>>
        tpu.enqueue_dma source(%dma_start3A_58 : memref<128xi32, #tpu.memory_space<hbm>>) target(%arg10 : memref<128xi32, #tpu.memory_space<vmem>>) target_semaphore(%run_scoped3A : memref<!tpu.dma_semaphore, #tpu.memory_space<semaphore_mem>>)
        %dma_wait3A_59 = tpu.memref_slice %arg4[%add3A_41] : memref<323584xi32, #tpu.memory_space<hbm>> -> memref<128xi32, #tpu.memory_space<hbm>>
        %dma_wait3A_60 = tpu.memref_slice %arg4[%add3A_41] : memref<323584xi32, #tpu.memory_space<hbm>> -> memref<128xi32, #tpu.memory_space<hbm>>
        tpu.wait_dma2 semaphore(%run_scoped3A : memref<!tpu.dma_semaphore, #tpu.memory_space<semaphore_mem>>) src(%dma_wait3A_60 : memref<128xi32, #tpu.memory_space<hbm>>) dst(%arg10 : memref<128xi32, #tpu.memory_space<vmem>>)
        tpu.yield
      }) : () -> ()
      "tpu.region"() ({
        %run_scoped3A = tpu.sem_alloc : memref<!tpu.dma_semaphore, #tpu.memory_space<semaphore_mem>>
        %dma_start3A_57 = tpu.memref_slice %arg5[%add3A_41] : memref<323584xi32, #tpu.memory_space<hbm>> -> memref<128xi32, #tpu.memory_space<hbm>>
        %dma_start3A_58 = tpu.memref_slice %arg5[%add3A_41] : memref<323584xi32, #tpu.memory_space<hbm>> -> memref<128xi32, #tpu.memory_space<hbm>>
        tpu.enqueue_dma source(%dma_start3A_58 : memref<128xi32, #tpu.memory_space<hbm>>) target(%arg11 : memref<128xi32, #tpu.memory_space<vmem>>) target_semaphore(%run_scoped3A : memref<!tpu.dma_semaphore, #tpu.memory_space<semaphore_mem>>)
        %dma_wait3A_59 = tpu.memref_slice %arg5[%add3A_41] : memref<323584xi32, #tpu.memory_space<hbm>> -> memref<128xi32, #tpu.memory_space<hbm>>
        %dma_wait3A_60 = tpu.memref_slice %arg5[%add3A_41] : memref<323584xi32, #tpu.memory_space<hbm>> -> memref<128xi32, #tpu.memory_space<hbm>>
        tpu.wait_dma2 semaphore(%run_scoped3A : memref<!tpu.dma_semaphore, #tpu.memory_space<semaphore_mem>>) src(%dma_wait3A_60 : memref<128xi32, #tpu.memory_space<hbm>>) dst(%arg11 : memref<128xi32, #tpu.memory_space<vmem>>)
        tpu.yield
      }) : () -> ()
      %dma_start3A = arith.constant 0 : i32
      %dma_start3A_42 = arith.constant 0 : i32
      %dma_start3A_43 = tpu.memref_slice %arg2[%dma_start3A, %dma_start3A_42] : memref<10112x80xf32, #tpu.memory_space<hbm>> -> memref<10112x80xf32, #tpu.memory_space<hbm>>
      tpu.enqueue_indirect_dma source(%dma_start3A_43 : memref<10112x80xf32, #tpu.memory_space<hbm>>) target(%arg7 : memref<128x80xf32, #tpu.memory_space<vmem>>) offsets(%arg10 : memref<128xi32, #tpu.memory_space<vmem>>) semaphore(%arg13 : memref<!tpu.dma_semaphore, #tpu.memory_space<semaphore_mem>>)
      %dma_start3A_44 = arith.constant 0 : i32
      %dma_start3A_45 = arith.constant 0 : i32
      %dma_start3A_46 = tpu.memref_slice %arg3[%dma_start3A_44, %dma_start3A_45] : memref<10112x16xf32, #tpu.memory_space<hbm>> -> memref<10112x16xf32, #tpu.memory_space<hbm>>
      tpu.enqueue_indirect_dma source(%dma_start3A_46 : memref<10112x16xf32, #tpu.memory_space<hbm>>) target(%arg8 : memref<128x16xf32, #tpu.memory_space<vmem>>) offsets(%arg11 : memref<128xi32, #tpu.memory_space<vmem>>) semaphore(%arg14 : memref<!tpu.dma_semaphore, #tpu.memory_space<semaphore_mem>>)
      %dma_wait3A = arith.constant 0 : i32
      %dma_wait3A_47 = arith.constant 0 : i32
      %dma_wait3A_48 = tpu.memref_slice %arg2[%dma_wait3A, %dma_wait3A_47] : memref<10112x80xf32, #tpu.memory_space<hbm>> -> memref<10112x80xf32, #tpu.memory_space<hbm>>
      tpu.wait_indirect_dma semaphore(%arg13 : memref<!tpu.dma_semaphore, #tpu.memory_space<semaphore_mem>>) src(%dma_wait3A_48 : memref<10112x80xf32, #tpu.memory_space<hbm>>) dst(%arg7 : memref<128x80xf32, #tpu.memory_space<vmem>>)
      %dma_wait3A_49 = arith.constant 0 : i32
      %dma_wait3A_50 = arith.constant 0 : i32
      %dma_wait3A_51 = tpu.memref_slice %arg3[%dma_wait3A_49, %dma_wait3A_50] : memref<10112x16xf32, #tpu.memory_space<hbm>> -> memref<10112x16xf32, #tpu.memory_space<hbm>>
      tpu.wait_indirect_dma semaphore(%arg14 : memref<!tpu.dma_semaphore, #tpu.memory_space<semaphore_mem>>) src(%dma_wait3A_51 : memref<10112x16xf32, #tpu.memory_space<hbm>>) dst(%arg8 : memref<128x16xf32, #tpu.memory_space<vmem>>)
      %scan3A_52 = arith.constant 0 : i32
      %scan3A_53 = arith.constant 128 : i32
      %scan3A_54 = arith.addi %scan3A_52, %scan3A_53 : i32
      %scan3A_55 = arith.constant 1 : i32
      scf.for %scan3A_57 = %scan3A_52 to %scan3A_54 step %scan3A_55  : i32 {
        %mul3A_58 = arith.constant 1 : i32
        %mul3A_59 = arith.muli %scan3A_57, %mul3A_58 : i32
        %add3A_60 = arith.constant 0 : i32
        %add3A_61 = arith.addi %add3A_60, %mul3A_59 : i32
        %get3A = arith.index_cast %add3A_61 : i32 to index
        %get3A_62 = arith.constant 64 : index
        %get3A_63 = tpu.vector_load %arg7[%get3A, %get3A_62] {strides = array<i32>} : memref<128x80xf32, #tpu.memory_space<vmem>>, vector<1x16xf32>,
        %get3A_64 = vector.shape_cast %get3A_63 : vector<1x16xf32> to vector<16xf32>
        %get3A_65 = arith.index_cast %add3A_61 : i32 to index
        %get3A_66 = arith.constant 0 : index
        %get3A_67 = tpu.vector_load %arg8[%get3A_65, %get3A_66] {strides = array<i32>} : memref<128x16xf32, #tpu.memory_space<vmem>>, vector<1x16xf32>,
        %get3A_68 = vector.shape_cast %get3A_67 : vector<1x16xf32> to vector<16xf32>
        %add3A_69 = arith.addf %get3A_64, %get3A_68 : vector<16xf32>
        %mul3A_70 = arith.constant 2.000000e-01 : f32
        %mul3A_71 = vector.broadcast %mul3A_70 : f32 to vector<16xf32>
        %mul3A_72 = arith.mulf %add3A_69, %mul3A_71 : vector<16xf32>
        %max3A = arith.maximumf %add3A_69, %mul3A_72 : vector<16xf32>
        %exp3A = math.exp %max3A : vector<16xf32>
        %swap3A = arith.index_cast %add3A_61 : i32 to index
        %swap3A_73 = arith.constant 64 : index
        %swap3A_74 = tpu.vector_load %arg9[%swap3A, %swap3A_73] {strides = array<i32>} : memref<128x80xf32, #tpu.memory_space<vmem>>, vector<1x16xf32>,
        %swap3A_75 = vector.shape_cast %swap3A_74 : vector<1x16xf32> to vector<16xf32>
        %swap3A_76 = vector.shape_cast %exp3A : vector<16xf32> to vector<1x16xf32>
        tpu.vector_store %arg9[%swap3A, %swap3A_73], %swap3A_76 {strides = array<i32>} : memref<128x80xf32, #tpu.memory_space<vmem>>, vector<1x16xf32>,
        %broadcast_in_dim3A = vector.shape_cast %add3A_18 : vector<16xi32> to vector<16x1xi32>
        %gather3A = vector.shape_cast %broadcast_in_dim3A : vector<16x1xi32> to vector<16xi32>
        %gather3A_77 = tpu.dynamic_gather %exp3A[%gather3A] in [0] : vector<16xf32>, vector<16xi32> -> vector<16xf32>
        %get3A_78 = arith.index_cast %add3A_61 : i32 to index
        %get3A_79 = arith.constant 0 : index
        %get3A_80 = tpu.vector_load %arg7[%get3A_78, %get3A_79] {strides = array<i32>} : memref<128x80xf32, #tpu.memory_space<vmem>>, vector<1x16xf32>,
        %get3A_81 = vector.shape_cast %get3A_80 : vector<1x16xf32> to vector<16xf32>
        %mul3A_82 = arith.mulf %get3A_81, %gather3A_77 : vector<16xf32>
        %swap3A_83 = arith.index_cast %add3A_61 : i32 to index
        %swap3A_84 = arith.constant 0 : index
        %swap3A_85 = tpu.vector_load %arg9[%swap3A_83, %swap3A_84] {strides = array<i32>} : memref<128x80xf32, #tpu.memory_space<vmem>>, vector<1x16xf32>,
        %swap3A_86 = vector.shape_cast %swap3A_85 : vector<1x16xf32> to vector<16xf32>
        %swap3A_87 = vector.shape_cast %mul3A_82 : vector<16xf32> to vector<1x16xf32>
        tpu.vector_store %arg9[%swap3A_83, %swap3A_84], %swap3A_87 {strides = array<i32>} : memref<128x80xf32, #tpu.memory_space<vmem>>, vector<1x16xf32>,
        %broadcast_in_dim3A_88 = vector.shape_cast %add3A_21 : vector<16xi32> to vector<16x1xi32>
        %gather3A_89 = vector.shape_cast %broadcast_in_dim3A_88 : vector<16x1xi32> to vector<16xi32>
        %gather3A_90 = tpu.dynamic_gather %exp3A[%gather3A_89] in [0] : vector<16xf32>, vector<16xi32> -> vector<16xf32>
        %get3A_91 = arith.index_cast %add3A_61 : i32 to index
        %get3A_92 = arith.constant 16 : index
        %get3A_93 = tpu.vector_load %arg7[%get3A_91, %get3A_92] {strides = array<i32>} : memref<128x80xf32, #tpu.memory_space<vmem>>, vector<1x16xf32>,
        %get3A_94 = vector.shape_cast %get3A_93 : vector<1x16xf32> to vector<16xf32>
        %mul3A_95 = arith.mulf %get3A_94, %gather3A_90 : vector<16xf32>
        %swap3A_96 = arith.index_cast %add3A_61 : i32 to index
        %swap3A_97 = arith.constant 16 : index
        %swap3A_98 = tpu.vector_load %arg9[%swap3A_96, %swap3A_97] {strides = array<i32>} : memref<128x80xf32, #tpu.memory_space<vmem>>, vector<1x16xf32>,
        %swap3A_99 = vector.shape_cast %swap3A_98 : vector<1x16xf32> to vector<16xf32>
        %swap3A_100 = vector.shape_cast %mul3A_95 : vector<16xf32> to vector<1x16xf32>
        tpu.vector_store %arg9[%swap3A_96, %swap3A_97], %swap3A_100 {strides = array<i32>} : memref<128x80xf32, #tpu.memory_space<vmem>>, vector<1x16xf32>,
        %broadcast_in_dim3A_101 = vector.shape_cast %add3A_24 : vector<16xi32> to vector<16x1xi32>
        %gather3A_102 = vector.shape_cast %broadcast_in_dim3A_101 : vector<16x1xi32> to vector<16xi32>
        %gather3A_103 = tpu.dynamic_gather %exp3A[%gather3A_102] in [0] : vector<16xf32>, vector<16xi32> -> vector<16xf32>
        %get3A_104 = arith.index_cast %add3A_61 : i32 to index
        %get3A_105 = arith.constant 32 : index
        %get3A_106 = tpu.vector_load %arg7[%get3A_104, %get3A_105] {strides = array<i32>} : memref<128x80xf32, #tpu.memory_space<vmem>>, vector<1x16xf32>,
        %get3A_107 = vector.shape_cast %get3A_106 : vector<1x16xf32> to vector<16xf32>
        %mul3A_108 = arith.mulf %get3A_107, %gather3A_103 : vector<16xf32>
        %swap3A_109 = arith.index_cast %add3A_61 : i32 to index
        %swap3A_110 = arith.constant 32 : index
        %swap3A_111 = tpu.vector_load %arg9[%swap3A_109, %swap3A_110] {strides = array<i32>} : memref<128x80xf32, #tpu.memory_space<vmem>>, vector<1x16xf32>,
        %swap3A_112 = vector.shape_cast %swap3A_111 : vector<1x16xf32> to vector<16xf32>
        %swap3A_113 = vector.shape_cast %mul3A_108 : vector<16xf32> to vector<1x16xf32>
        tpu.vector_store %arg9[%swap3A_109, %swap3A_110], %swap3A_113 {strides = array<i32>} : memref<128x80xf32, #tpu.memory_space<vmem>>, vector<1x16xf32>,
        %broadcast_in_dim3A_114 = vector.shape_cast %add3A_27 : vector<16xi32> to vector<16x1xi32>
        %gather3A_115 = vector.shape_cast %broadcast_in_dim3A_114 : vector<16x1xi32> to vector<16xi32>
        %gather3A_116 = tpu.dynamic_gather %exp3A[%gather3A_115] in [0] : vector<16xf32>, vector<16xi32> -> vector<16xf32>
        %get3A_117 = arith.index_cast %add3A_61 : i32 to index
        %get3A_118 = arith.constant 48 : index
        %get3A_119 = tpu.vector_load %arg7[%get3A_117, %get3A_118] {strides = array<i32>} : memref<128x80xf32, #tpu.memory_space<vmem>>, vector<1x16xf32>,
        %get3A_120 = vector.shape_cast %get3A_119 : vector<1x16xf32> to vector<16xf32>
        %mul3A_121 = arith.mulf %get3A_120, %gather3A_116 : vector<16xf32>
        %swap3A_122 = arith.index_cast %add3A_61 : i32 to index
        %swap3A_123 = arith.constant 48 : index
        %swap3A_124 = tpu.vector_load %arg9[%swap3A_122, %swap3A_123] {strides = array<i32>} : memref<128x80xf32, #tpu.memory_space<vmem>>, vector<1x16xf32>,
        %swap3A_125 = vector.shape_cast %swap3A_124 : vector<1x16xf32> to vector<16xf32>
        %swap3A_126 = vector.shape_cast %mul3A_121 : vector<16xf32> to vector<1x16xf32>
        tpu.vector_store %arg9[%swap3A_122, %swap3A_123], %swap3A_126 {strides = array<i32>} : memref<128x80xf32, #tpu.memory_space<vmem>>, vector<1x16xf32>,
      }
      %scan3A_56 = arith.constant 128 : i32
      "tpu.region"() ({
        %run_scoped3A = tpu.sem_alloc : memref<!tpu.dma_semaphore, #tpu.memory_space<semaphore_mem>>
        %dma_start3A_57 = arith.constant 0 : i32
        %dma_start3A_58 = arith.constant 0 : i32
        %dma_start3A_59 = tpu.memref_slice %arg12[%dma_start3A_57, %dma_start3A_58] : memref<10112x80xf32, #tpu.memory_space<vmem_shared>> -> memref<10112x80xf32, #tpu.memory_space<vmem_shared>>
        tpu.enqueue_indirect_dma source(%arg9 : memref<128x80xf32, #tpu.memory_space<vmem>>) target(%dma_start3A_59 : memref<10112x80xf32, #tpu.memory_space<vmem_shared>>) offsets(%arg11 : memref<128xi32, #tpu.memory_space<vmem>>) semaphore(%run_scoped3A : memref<!tpu.dma_semaphore, #tpu.memory_space<semaphore_mem>>) {add = true}
        %dma_wait3A_60 = arith.constant 0 : i32
        %dma_wait3A_61 = arith.constant 0 : i32
        %dma_wait3A_62 = tpu.memref_slice %arg12[%dma_wait3A_60, %dma_wait3A_61] : memref<10112x80xf32, #tpu.memory_space<vmem_shared>> -> memref<10112x80xf32, #tpu.memory_space<vmem_shared>>
        tpu.wait_indirect_dma semaphore(%run_scoped3A : memref<!tpu.dma_semaphore, #tpu.memory_space<semaphore_mem>>) src(%arg9 : memref<128x80xf32, #tpu.memory_space<vmem>>) dst(%dma_wait3A_62 : memref<10112x80xf32, #tpu.memory_space<vmem_shared>>)
        tpu.yield
      }) : () -> ()
    }
    %scan3A_34 = arith.constant 79 : i32
    %barrier3A_35 = arith.constant 0 : index
    tpu.barrier barrier_id(%barrier3A_35)
    "tpu.region"() ({
      %run_scoped3A = tpu.sem_alloc : memref<!tpu.dma_semaphore, #tpu.memory_space<semaphore_mem>>
      %dma_start3A = arith.constant 0 : i32
      %dma_start3A_36 = tpu.memref_slice %arg6[%arg0, %mul3A_2, %dma_start3A] : memref<2x10112x80xf32, #tpu.memory_space<hbm>> -> memref<1x632x80xf32, #tpu.memory_space<hbm>>
      %dma_start3A_37 = tpu.memref_squeeze %dma_start3A_36 : memref<1x632x80xf32, #tpu.memory_space<hbm>> -> memref<632x80xf32, #tpu.memory_space<hbm>>
      %dma_start3A_38 = arith.constant 0 : i32
      %dma_start3A_39 = tpu.memref_slice %arg12[%mul3A_2, %dma_start3A_38] : memref<10112x80xf32, #tpu.memory_space<vmem_shared>> -> memref<632x80xf32, #tpu.memory_space<vmem_shared>>
      tpu.enqueue_dma source(%dma_start3A_39 : memref<632x80xf32, #tpu.memory_space<vmem_shared>>) target(%dma_start3A_37 : memref<632x80xf32, #tpu.memory_space<hbm>>) target_semaphore(%run_scoped3A : memref<!tpu.dma_semaphore, #tpu.memory_space<semaphore_mem>>)
      %dma_wait3A = arith.constant 0 : i32
      %dma_wait3A_40 = tpu.memref_slice %arg6[%arg0, %mul3A_2, %dma_wait3A] : memref<2x10112x80xf32, #tpu.memory_space<hbm>> -> memref<1x632x80xf32, #tpu.memory_space<hbm>>
      %dma_wait3A_41 = tpu.memref_squeeze %dma_wait3A_40 : memref<1x632x80xf32, #tpu.memory_space<hbm>> -> memref<632x80xf32, #tpu.memory_space<hbm>>
      %dma_wait3A_42 = arith.constant 0 : i32
      %dma_wait3A_43 = tpu.memref_slice %arg12[%mul3A_2, %dma_wait3A_42] : memref<10112x80xf32, #tpu.memory_space<vmem_shared>> -> memref<632x80xf32, #tpu.memory_space<vmem_shared>>
      tpu.wait_dma2 semaphore(%run_scoped3A : memref<!tpu.dma_semaphore, #tpu.memory_space<semaphore_mem>>) src(%dma_wait3A_43 : memref<632x80xf32, #tpu.memory_space<vmem_shared>>) dst(%dma_wait3A_41 : memref<632x80xf32, #tpu.memory_space<hbm>>)
      tpu.yield
    }) : () -> ()
    return
  }
}

module attributes {stable_mosaic.version = 14 : i64} {
  func.func @proj1_body(%arg0: i32, %arg1: memref<1264x128xf32, #tpu.memory_space<vmem>>, %arg2: memref<128x64xf32, #tpu.memory_space<vmem>>, %arg3: memref<64x1xf32, #tpu.memory_space<vmem>>, %arg4: memref<64x1xf32, #tpu.memory_space<vmem>>, %arg5: memref<1264x80xf32, #tpu.memory_space<vmem>>, %arg6: memref<1264x16xf32, #tpu.memory_space<vmem>>) attributes {dimension_semantics = [#tpu.dimension_semantics<arbitrary>], iteration_bounds = array<i64: 8>, scalar_prefetch = 0 : i64, scratch_operands = 0 : i64, tpu.core_type = #tpu.core_type<tc>, window_params = [{transform_indices = @transform_0, window_bounds = array<i64: 1264, 128>}, {pipeline_mode = #tpu.pipeline_mode<synchronous>, transform_indices = @transform_1, window_bounds = array<i64: 128, 64>}, {pipeline_mode = #tpu.pipeline_mode<synchronous>, transform_indices = @transform_2, window_bounds = array<i64: 64, 1>}, {pipeline_mode = #tpu.pipeline_mode<synchronous>, transform_indices = @transform_3, window_bounds = array<i64: 64, 1>}, {transform_indices = @transform_4, window_bounds = array<i64: 1264, 80>}, {transform_indices = @transform_5, window_bounds = array<i64: 1264, 16>}]} {
    %get3A = arith.constant 0 : index
    %get3A_0 = arith.constant 0 : index
    %get3A_1 = vector.load %arg1[%get3A, %get3A_0] : memref<1264x128xf32, #tpu.memory_space<vmem>>, vector<1264x128xf32>
    %get3A_2 = arith.constant 0 : index
    %get3A_3 = arith.constant 0 : index
    %get3A_4 = vector.load %arg2[%get3A_2, %get3A_3] : memref<128x64xf32, #tpu.memory_space<vmem>>, vector<128x64xf32>
    %dot_general3A = arith.constant dense<0.000000e+00> : vector<1264x64xf32>
    %dot_general3A_5 = tpu.matmul %get3A_1, %get3A_4, %dot_general3A {dimension_numbers = #tpu.dot_dimension_numbers<[1], [0], [0], [1], [0, 0, 1, 1], [], []>, transpose_lhs_hint = false} : vector<1264x128xf32>, vector<128x64xf32>, vector<1264x64xf32> -> vector<1264x64xf32>
    %get3A_6 = arith.constant 0 : index
    %get3A_7 = arith.constant 0 : index
    %get3A_8 = vector.load %arg3[%get3A_6, %get3A_7] : memref<64x1xf32, #tpu.memory_space<vmem>>, vector<64x1xf32>
    %iota3A = tpu.iota {dimensions = array<i32: 0>} : vector<64x8xi32>
    %iota3A_9 = tpu.iota {dimensions = array<i32: 1>} : vector<64x8xi32>
    %jit3A = arith.constant 8 : i32
    %div3A = vector.broadcast %jit3A : i32 to vector<64x8xi32>
    %div3A_10 = arith.divsi %iota3A, %div3A : vector<64x8xi32>
    %sign3A = arith.constant 0 : i32
    %sign3A_11 = vector.broadcast %sign3A : i32 to vector<64x8xi32>
    %sign3A_12 = arith.cmpi sgt, %iota3A, %sign3A_11 : vector<64x8xi32>
    %sign3A_13 = arith.extui %sign3A_12 : vector<64x8xi1> to vector<64x8xi32>
    %sign3A_14 = arith.constant 0 : i32
    %sign3A_15 = vector.broadcast %sign3A_14 : i32 to vector<64x8xi32>
    %sign3A_16 = arith.cmpi slt, %iota3A, %sign3A_15 : vector<64x8xi32>
    %sign3A_17 = arith.extui %sign3A_16 : vector<64x8xi1> to vector<64x8xi32>
    %sign3A_18 = arith.subi %sign3A_13, %sign3A_17 : vector<64x8xi32>
    %sign3A_19 = arith.constant 0 : i32
    %sign3A_20 = arith.cmpi sgt, %jit3A, %sign3A_19 : i32
    %sign3A_21 = arith.extui %sign3A_20 : i1 to i32
    %sign3A_22 = arith.constant 0 : i32
    %sign3A_23 = arith.cmpi slt, %jit3A, %sign3A_22 : i32
    %sign3A_24 = arith.extui %sign3A_23 : i1 to i32
    %sign3A_25 = arith.subi %sign3A_21, %sign3A_24 : i32
    %ne3A = vector.broadcast %sign3A_25 : i32 to vector<64x8xi32>
    %ne3A_26 = arith.cmpi ne, %sign3A_18, %ne3A : vector<64x8xi32>
    %rem3A = vector.broadcast %jit3A : i32 to vector<64x8xi32>
    %rem3A_27 = arith.remsi %iota3A, %rem3A : vector<64x8xi32>
    %ne3A_28 = arith.constant 0 : i32
    %ne3A_29 = vector.broadcast %ne3A_28 : i32 to vector<64x8xi32>
    %ne3A_30 = arith.cmpi ne, %rem3A_27, %ne3A_29 : vector<64x8xi32>
    %and3A = arith.andi %ne3A_26, %ne3A_30 : vector<64x8xi1>
    %sub3A = arith.constant 1 : i32
    %sub3A_31 = vector.broadcast %sub3A : i32 to vector<64x8xi32>
    %sub3A_32 = arith.subi %div3A_10, %sub3A_31 : vector<64x8xi32>
    %select_n3A = arith.select %and3A, %sub3A_32, %div3A_10 : vector<64x8xi1>, vector<64x8xi32>
    %eq3A = arith.cmpi eq, %select_n3A, %iota3A_9 : vector<64x8xi32>
    %jit3A_33 = arith.constant 0.000000e+00 : f32
    %broadcast_in_dim3A = vector.shape_cast %get3A_8 : vector<64x1xf32> to vector<64x1xf32>
    %broadcast_in_dim3A_34 = vector.broadcast %broadcast_in_dim3A : vector<64x1xf32> to vector<64x8xf32>
    %broadcast_in_dim3A_35 = vector.broadcast %jit3A_33 : f32 to vector<64x8xf32>
    %select_n3A_36 = arith.select %eq3A, %broadcast_in_dim3A_34, %broadcast_in_dim3A_35 : vector<64x8xi1>, vector<64x8xf32>
    %dot_general3A_37 = arith.constant dense<0.000000e+00> : vector<1264x8xf32>
    %dot_general3A_38 = tpu.matmul %dot_general3A_5, %select_n3A_36, %dot_general3A_37 {dimension_numbers = #tpu.dot_dimension_numbers<[1], [0], [0], [1], [0, 0, 1, 1], [], []>, transpose_lhs_hint = false} : vector<1264x64xf32>, vector<64x8xf32>, vector<1264x8xf32> -> vector<1264x8xf32>
    %get3A_39 = arith.constant 0 : index
    %get3A_40 = arith.constant 0 : index
    %get3A_41 = vector.load %arg4[%get3A_39, %get3A_40] : memref<64x1xf32, #tpu.memory_space<vmem>>, vector<64x1xf32>
    %iota3A_42 = tpu.iota {dimensions = array<i32: 0>} : vector<64x8xi32>
    %iota3A_43 = tpu.iota {dimensions = array<i32: 1>} : vector<64x8xi32>
    %jit3A_44 = arith.constant 8 : i32
    %div3A_45 = vector.broadcast %jit3A_44 : i32 to vector<64x8xi32>
    %div3A_46 = arith.divsi %iota3A_42, %div3A_45 : vector<64x8xi32>
    %sign3A_47 = arith.constant 0 : i32
    %sign3A_48 = vector.broadcast %sign3A_47 : i32 to vector<64x8xi32>
    %sign3A_49 = arith.cmpi sgt, %iota3A_42, %sign3A_48 : vector<64x8xi32>
    %sign3A_50 = arith.extui %sign3A_49 : vector<64x8xi1> to vector<64x8xi32>
    %sign3A_51 = arith.constant 0 : i32
    %sign3A_52 = vector.broadcast %sign3A_51 : i32 to vector<64x8xi32>
    %sign3A_53 = arith.cmpi slt, %iota3A_42, %sign3A_52 : vector<64x8xi32>
    %sign3A_54 = arith.extui %sign3A_53 : vector<64x8xi1> to vector<64x8xi32>
    %sign3A_55 = arith.subi %sign3A_50, %sign3A_54 : vector<64x8xi32>
    %sign3A_56 = arith.constant 0 : i32
    %sign3A_57 = arith.cmpi sgt, %jit3A_44, %sign3A_56 : i32
    %sign3A_58 = arith.extui %sign3A_57 : i1 to i32
    %sign3A_59 = arith.constant 0 : i32
    %sign3A_60 = arith.cmpi slt, %jit3A_44, %sign3A_59 : i32
    %sign3A_61 = arith.extui %sign3A_60 : i1 to i32
    %sign3A_62 = arith.subi %sign3A_58, %sign3A_61 : i32
    %ne3A_63 = vector.broadcast %sign3A_62 : i32 to vector<64x8xi32>
    %ne3A_64 = arith.cmpi ne, %sign3A_55, %ne3A_63 : vector<64x8xi32>
    %rem3A_65 = vector.broadcast %jit3A_44 : i32 to vector<64x8xi32>
    %rem3A_66 = arith.remsi %iota3A_42, %rem3A_65 : vector<64x8xi32>
    %ne3A_67 = arith.constant 0 : i32
    %ne3A_68 = vector.broadcast %ne3A_67 : i32 to vector<64x8xi32>
    %ne3A_69 = arith.cmpi ne, %rem3A_66, %ne3A_68 : vector<64x8xi32>
    %and3A_70 = arith.andi %ne3A_64, %ne3A_69 : vector<64x8xi1>
    %sub3A_71 = arith.constant 1 : i32
    %sub3A_72 = vector.broadcast %sub3A_71 : i32 to vector<64x8xi32>
    %sub3A_73 = arith.subi %div3A_46, %sub3A_72 : vector<64x8xi32>
    %select_n3A_74 = arith.select %and3A_70, %sub3A_73, %div3A_46 : vector<64x8xi1>, vector<64x8xi32>
    %eq3A_75 = arith.cmpi eq, %select_n3A_74, %iota3A_43 : vector<64x8xi32>
    %jit3A_76 = arith.constant 0.000000e+00 : f32
    %broadcast_in_dim3A_77 = vector.shape_cast %get3A_41 : vector<64x1xf32> to vector<64x1xf32>
    %broadcast_in_dim3A_78 = vector.broadcast %broadcast_in_dim3A_77 : vector<64x1xf32> to vector<64x8xf32>
    %broadcast_in_dim3A_79 = vector.broadcast %jit3A_76 : f32 to vector<64x8xf32>
    %select_n3A_80 = arith.select %eq3A_75, %broadcast_in_dim3A_78, %broadcast_in_dim3A_79 : vector<64x8xi1>, vector<64x8xf32>
    %dot_general3A_81 = arith.constant dense<0.000000e+00> : vector<1264x8xf32>
    %dot_general3A_82 = tpu.matmul %dot_general3A_5, %select_n3A_80, %dot_general3A_81 {dimension_numbers = #tpu.dot_dimension_numbers<[1], [0], [0], [1], [0, 0, 1, 1], [], []>, transpose_lhs_hint = false} : vector<1264x64xf32>, vector<64x8xf32>, vector<1264x8xf32> -> vector<1264x8xf32>
    %broadcast_in_dim3A_83 = arith.constant 0.000000e+00 : f32
    %broadcast_in_dim3A_84 = vector.broadcast %broadcast_in_dim3A_83 : f32 to vector<1264x8xf32>
    %concatenate3A = tpu.concatenate %dot_general3A_5, %dot_general3A_38, %broadcast_in_dim3A_84 in 1 : vector<1264x64xf32>, vector<1264x8xf32>, vector<1264x8xf32> -> vector<1264x80xf32>
    %swap3A = arith.constant 0 : index
    %swap3A_85 = arith.constant 0 : index
    %swap3A_86 = vector.load %arg5[%swap3A, %swap3A_85] : memref<1264x80xf32, #tpu.memory_space<vmem>>, vector<1264x80xf32>
    tpu.vector_store %arg5[%swap3A, %swap3A_85], %concatenate3A {strides = array<i32>} : memref<1264x80xf32, #tpu.memory_space<vmem>>, vector<1264x80xf32>,
    %concatenate3A_87 = tpu.concatenate %dot_general3A_82, %broadcast_in_dim3A_84 in 1 : vector<1264x8xf32>, vector<1264x8xf32> -> vector<1264x16xf32>
    %swap3A_88 = arith.constant 0 : index
    %swap3A_89 = arith.constant 0 : index
    %swap3A_90 = vector.load %arg6[%swap3A_88, %swap3A_89] : memref<1264x16xf32, #tpu.memory_space<vmem>>, vector<1264x16xf32>
    tpu.vector_store %arg6[%swap3A_88, %swap3A_89], %concatenate3A_87 {strides = array<i32>} : memref<1264x16xf32, #tpu.memory_space<vmem>>, vector<1264x16xf32>,
    return
  }
  func.func @transform_0(%arg0: i32) -> (i32, i32) {
    %c0_i32 = arith.constant 0 : i32
    %c0_i32_0 = arith.constant 0 : i32
    return %arg0, %c0_i32 : i32, i32
  }
  func.func @transform_1(%arg0: i32) -> (i32, i32) {
    %c0_i32 = arith.constant 0 : i32
    %c0_i32_0 = arith.constant 0 : i32
    %c0_i32_1 = arith.constant 0 : i32
    return %c0_i32, %c0_i32_0 : i32, i32
  }
  func.func @transform_2(%arg0: i32) -> (i32, i32) {
    %c0_i32 = arith.constant 0 : i32
    %c0_i32_0 = arith.constant 0 : i32
    %c0_i32_1 = arith.constant 0 : i32
    return %c0_i32, %c0_i32_0 : i32, i32
  }
  func.func @transform_3(%arg0: i32) -> (i32, i32) {
    %c0_i32 = arith.constant 0 : i32
    %c0_i32_0 = arith.constant 0 : i32
    %c0_i32_1 = arith.constant 0 : i32
    return %c0_i32, %c0_i32_0 : i32, i32
  }
  func.func @transform_4(%arg0: i32) -> (i32, i32) {
    %c0_i32 = arith.constant 0 : i32
    %c0_i32_0 = arith.constant 0 : i32
    return %arg0, %c0_i32 : i32, i32
  }
  func.func @transform_5(%arg0: i32) -> (i32, i32) {
    %c0_i32 = arith.constant 0 : i32
    %c0_i32_0 = arith.constant 0 : i32
    return %arg0, %c0_i32 : i32, i32
  }
}

module attributes {stable_mosaic.version = 14 : i64} {
  func.func @mid_body(%arg0: i32, %arg1: memref<2x1264x80xf32, #tpu.memory_space<vmem>>, %arg2: memref<1264x80xf32, #tpu.memory_space<vmem>>, %arg3: memref<1264x16xf32, #tpu.memory_space<vmem>>, %arg4: memref<1x64xf32, #tpu.memory_space<vmem>>, %arg5: memref<64x128xf32, #tpu.memory_space<vmem>>, %arg6: memref<1x128xf32, #tpu.memory_space<vmem>>, %arg7: memref<1x128xf32, #tpu.memory_space<vmem>>, %arg8: memref<1264x144xf32, #tpu.memory_space<vmem>>, %arg9: memref<1264x16xf32, #tpu.memory_space<vmem>>) attributes {dimension_semantics = [#tpu.dimension_semantics<arbitrary>], iteration_bounds = array<i64: 8>, scalar_prefetch = 0 : i64, scratch_operands = 0 : i64, tpu.core_type = #tpu.core_type<tc>, window_params = [{transform_indices = @transform_0, window_bounds = array<i64: 2, 1264, 80>}, {transform_indices = @transform_1, window_bounds = array<i64: 1264, 80>}, {transform_indices = @transform_2, window_bounds = array<i64: 1264, 16>}, {pipeline_mode = #tpu.pipeline_mode<synchronous>, transform_indices = @transform_3, window_bounds = array<i64: 1, 64>}, {pipeline_mode = #tpu.pipeline_mode<synchronous>, transform_indices = @transform_4, window_bounds = array<i64: 64, 128>}, {pipeline_mode = #tpu.pipeline_mode<synchronous>, transform_indices = @transform_5, window_bounds = array<i64: 1, 128>}, {pipeline_mode = #tpu.pipeline_mode<synchronous>, transform_indices = @transform_6, window_bounds = array<i64: 1, 128>}, {transform_indices = @transform_7, window_bounds = array<i64: 1264, 144>}, {transform_indices = @transform_8, window_bounds = array<i64: 1264, 16>}]} {
    %get3A = arith.constant 0 : index
    %get3A_0 = arith.constant 0 : index
    %get3A_1 = arith.constant 0 : index
    %get3A_2 = vector.load %arg1[%get3A, %get3A_0, %get3A_1] : memref<2x1264x80xf32, #tpu.memory_space<vmem>>, vector<1x1264x80xf32>
    %get3A_3 = vector.shape_cast %get3A_2 : vector<1x1264x80xf32> to vector<1264x80xf32>
    %get3A_4 = arith.constant 1 : index
    %get3A_5 = arith.constant 0 : index
    %get3A_6 = arith.constant 0 : index
    %get3A_7 = vector.load %arg1[%get3A_4, %get3A_5, %get3A_6] : memref<2x1264x80xf32, #tpu.memory_space<vmem>>, vector<1x1264x80xf32>
    %get3A_8 = vector.shape_cast %get3A_7 : vector<1x1264x80xf32> to vector<1264x80xf32>
    %add3A = arith.addf %get3A_3, %get3A_8 : vector<1264x80xf32>
    %slice3A = vector.extract_strided_slice %add3A {offsets = [0, 0], sizes = [1264, 64], strides = [1, 1]} : vector<1264x80xf32> to vector<1264x64xf32>
    %slice3A_9 = vector.extract_strided_slice %add3A {offsets = [0, 64], sizes = [1264, 8], strides = [1, 1]} : vector<1264x80xf32> to vector<1264x8xf32>
    %get3A_10 = arith.constant 0 : index
    %get3A_11 = arith.constant 0 : index
    %get3A_12 = vector.load %arg2[%get3A_10, %get3A_11] : memref<1264x80xf32, #tpu.memory_space<vmem>>, vector<1264x80xf32>
    %slice3A_13 = vector.extract_strided_slice %get3A_12 {offsets = [0, 0], sizes = [1264, 64], strides = [1, 1]} : vector<1264x80xf32> to vector<1264x64xf32>
    %get3A_14 = arith.constant 0 : index
    %get3A_15 = arith.constant 0 : index
    %get3A_16 = vector.load %arg2[%get3A_14, %get3A_15] : memref<1264x80xf32, #tpu.memory_space<vmem>>, vector<1264x80xf32>
    %slice3A_17 = vector.extract_strided_slice %get3A_16 {offsets = [0, 64], sizes = [1264, 8], strides = [1, 1]} : vector<1264x80xf32> to vector<1264x8xf32>
    %get3A_18 = arith.constant 0 : index
    %get3A_19 = arith.constant 0 : index
    %get3A_20 = vector.load %arg3[%get3A_18, %get3A_19] : memref<1264x16xf32, #tpu.memory_space<vmem>>, vector<1264x16xf32>
    %slice3A_21 = vector.extract_strided_slice %get3A_20 {offsets = [0, 0], sizes = [1264, 8], strides = [1, 1]} : vector<1264x16xf32> to vector<1264x8xf32>
    %add3A_22 = arith.addf %slice3A_17, %slice3A_21 : vector<1264x8xf32>
    %mul3A = arith.constant 2.000000e-01 : f32
    %mul3A_23 = vector.broadcast %mul3A : f32 to vector<1264x8xf32>
    %mul3A_24 = arith.mulf %add3A_22, %mul3A_23 : vector<1264x8xf32>
    %max3A = arith.maximumf %add3A_22, %mul3A_24 : vector<1264x8xf32>
    %exp3A = math.exp %max3A : vector<1264x8xf32>
    %broadcast_in_dim3A = vector.shape_cast %exp3A : vector<1264x8xf32> to vector<1264x8x1xf32>
    %broadcast_in_dim3A_25 = vector.broadcast %broadcast_in_dim3A : vector<1264x8x1xf32> to vector<1264x8x8xf32>
    %reshape3A = vector.shape_cast %broadcast_in_dim3A_25 : vector<1264x8x8xf32> to vector<1264x64xf32>
    %mul3A_26 = arith.mulf %reshape3A, %slice3A_13 : vector<1264x64xf32>
    %add3A_27 = arith.addf %slice3A, %mul3A_26 : vector<1264x64xf32>
    %add3A_28 = arith.addf %slice3A_9, %exp3A : vector<1264x8xf32>
    %broadcast_in_dim3A_29 = vector.shape_cast %add3A_28 : vector<1264x8xf32> to vector<1264x8x1xf32>
    %broadcast_in_dim3A_30 = vector.broadcast %broadcast_in_dim3A_29 : vector<1264x8x1xf32> to vector<1264x8x8xf32>
    %reshape3A_31 = vector.shape_cast %broadcast_in_dim3A_30 : vector<1264x8x8xf32> to vector<1264x64xf32>
    %div3A = arith.divf %add3A_27, %reshape3A_31 : vector<1264x64xf32>
    %get3A_32 = arith.constant 0 : index
    %get3A_33 = arith.constant 0 : index
    %get3A_34 = vector.load %arg4[%get3A_32, %get3A_33] : memref<1x64xf32, #tpu.memory_space<vmem>>, vector<1x64xf32>
    %add3A_35 = vector.broadcast %get3A_34 : vector<1x64xf32> to vector<1264x64xf32>
    %add3A_36 = arith.addf %div3A, %add3A_35 : vector<1264x64xf32>
    %gt3A = arith.constant 0.000000e+00 : f32
    %gt3A_37 = vector.broadcast %gt3A : f32 to vector<1264x64xf32>
    %gt3A_38 = arith.cmpf ogt, %add3A_36, %gt3A_37 : vector<1264x64xf32>
    %min3A = arith.constant 0.000000e+00 : f32
    %min3A_39 = vector.broadcast %min3A : f32 to vector<1264x64xf32>
    %min3A_40 = arith.minimumf %add3A_36, %min3A_39 : vector<1264x64xf32>
    %exp3A_41 = math.exp %min3A_40 : vector<1264x64xf32>
    %sub3A = arith.constant 1.000000e+00 : f32
    %sub3A_42 = vector.broadcast %sub3A : f32 to vector<1264x64xf32>
    %sub3A_43 = arith.subf %exp3A_41, %sub3A_42 : vector<1264x64xf32>
    %select_n3A = arith.select %gt3A_38, %add3A_36, %sub3A_43 : vector<1264x64xi1>, vector<1264x64xf32>
    %get3A_44 = arith.constant 0 : index
    %get3A_45 = arith.constant 0 : index
    %get3A_46 = vector.load %arg5[%get3A_44, %get3A_45] : memref<64x128xf32, #tpu.memory_space<vmem>>, vector<64x128xf32>
    %dot_general3A = arith.constant dense<0.000000e+00> : vector<1264x128xf32>
    %dot_general3A_47 = tpu.matmul %select_n3A, %get3A_46, %dot_general3A {dimension_numbers = #tpu.dot_dimension_numbers<[1], [0], [0], [1], [0, 0, 1, 1], [], []>, transpose_lhs_hint = false} : vector<1264x64xf32>, vector<64x128xf32>, vector<1264x128xf32> -> vector<1264x128xf32>
    %get3A_48 = arith.constant 0 : index
    %get3A_49 = arith.constant 0 : index
    %get3A_50 = vector.load %arg6[%get3A_48, %get3A_49] : memref<1x128xf32, #tpu.memory_space<vmem>>, vector<1x128xf32>
    %mul3A_51 = vector.broadcast %get3A_50 : vector<1x128xf32> to vector<1264x128xf32>
    %mul3A_52 = arith.mulf %dot_general3A_47, %mul3A_51 : vector<1264x128xf32>
    %reduce_sum3A = arith.constant dense<0.000000e+00> : vector<1264xf32>
    %reduce_sum3A_53 = vector.multi_reduction <add>, %mul3A_52, %reduce_sum3A [1] : vector<1264x128xf32> to vector<1264xf32>
    %broadcast_in_dim3A_54 = vector.shape_cast %reduce_sum3A_53 : vector<1264xf32> to vector<1264x1xf32>
    %get3A_55 = arith.constant 0 : index
    %get3A_56 = arith.constant 0 : index
    %get3A_57 = vector.load %arg7[%get3A_55, %get3A_56] : memref<1x128xf32, #tpu.memory_space<vmem>>, vector<1x128xf32>
    %mul3A_58 = vector.broadcast %get3A_57 : vector<1x128xf32> to vector<1264x128xf32>
    %mul3A_59 = arith.mulf %dot_general3A_47, %mul3A_58 : vector<1264x128xf32>
    %reduce_sum3A_60 = arith.constant dense<0.000000e+00> : vector<1264xf32>
    %reduce_sum3A_61 = vector.multi_reduction <add>, %mul3A_59, %reduce_sum3A_60 [1] : vector<1264x128xf32> to vector<1264xf32>
    %broadcast_in_dim3A_62 = vector.shape_cast %reduce_sum3A_61 : vector<1264xf32> to vector<1264x1xf32>
    %broadcast_in_dim3A_63 = vector.shape_cast %broadcast_in_dim3A_54 : vector<1264x1xf32> to vector<1264x1xf32>
    %broadcast_in_dim3A_64 = vector.broadcast %broadcast_in_dim3A_63 : vector<1264x1xf32> to vector<1264x16xf32>
    %concatenate3A = tpu.concatenate %dot_general3A_47, %broadcast_in_dim3A_64 in 1 : vector<1264x128xf32>, vector<1264x16xf32> -> vector<1264x144xf32>
    %swap3A = arith.constant 0 : index
    %swap3A_65 = arith.constant 0 : index
    %swap3A_66 = vector.load %arg8[%swap3A, %swap3A_65] : memref<1264x144xf32, #tpu.memory_space<vmem>>, vector<1264x144xf32>
    tpu.vector_store %arg8[%swap3A, %swap3A_65], %concatenate3A {strides = array<i32>} : memref<1264x144xf32, #tpu.memory_space<vmem>>, vector<1264x144xf32>,
    %broadcast_in_dim3A_67 = vector.shape_cast %broadcast_in_dim3A_62 : vector<1264x1xf32> to vector<1264x1xf32>
    %broadcast_in_dim3A_68 = vector.broadcast %broadcast_in_dim3A_67 : vector<1264x1xf32> to vector<1264x16xf32>
    %swap3A_69 = arith.constant 0 : index
    %swap3A_70 = arith.constant 0 : index
    %swap3A_71 = vector.load %arg9[%swap3A_69, %swap3A_70] : memref<1264x16xf32, #tpu.memory_space<vmem>>, vector<1264x16xf32>
    tpu.vector_store %arg9[%swap3A_69, %swap3A_70], %broadcast_in_dim3A_68 {strides = array<i32>} : memref<1264x16xf32, #tpu.memory_space<vmem>>, vector<1264x16xf32>,
    return
  }
  func.func @transform_0(%arg0: i32) -> (i32, i32, i32) {
    %c0_i32 = arith.constant 0 : i32
    %c0_i32_0 = arith.constant 0 : i32
    %c0_i32_1 = arith.constant 0 : i32
    return %c0_i32, %arg0, %c0_i32_0 : i32, i32, i32
  }
  func.func @transform_1(%arg0: i32) -> (i32, i32) {
    %c0_i32 = arith.constant 0 : i32
    %c0_i32_0 = arith.constant 0 : i32
    return %arg0, %c0_i32 : i32, i32
  }
  func.func @transform_2(%arg0: i32) -> (i32, i32) {
    %c0_i32 = arith.constant 0 : i32
    %c0_i32_0 = arith.constant 0 : i32
    return %arg0, %c0_i32 : i32, i32
  }
  func.func @transform_3(%arg0: i32) -> (i32, i32) {
    %c0_i32 = arith.constant 0 : i32
    %c0_i32_0 = arith.constant 0 : i32
    %c0_i32_1 = arith.constant 0 : i32
    return %c0_i32, %c0_i32_0 : i32, i32
  }
  func.func @transform_4(%arg0: i32) -> (i32, i32) {
    %c0_i32 = arith.constant 0 : i32
    %c0_i32_0 = arith.constant 0 : i32
    %c0_i32_1 = arith.constant 0 : i32
    return %c0_i32, %c0_i32_0 : i32, i32
  }
  func.func @transform_5(%arg0: i32) -> (i32, i32) {
    %c0_i32 = arith.constant 0 : i32
    %c0_i32_0 = arith.constant 0 : i32
    %c0_i32_1 = arith.constant 0 : i32
    return %c0_i32, %c0_i32_0 : i32, i32
  }
  func.func @transform_6(%arg0: i32) -> (i32, i32) {
    %c0_i32 = arith.constant 0 : i32
    %c0_i32_0 = arith.constant 0 : i32
    %c0_i32_1 = arith.constant 0 : i32
    return %c0_i32, %c0_i32_0 : i32, i32
  }
  func.func @transform_7(%arg0: i32) -> (i32, i32) {
    %c0_i32 = arith.constant 0 : i32
    %c0_i32_0 = arith.constant 0 : i32
    return %arg0, %c0_i32 : i32, i32
  }
  func.func @transform_8(%arg0: i32) -> (i32, i32) {
    %c0_i32 = arith.constant 0 : i32
    %c0_i32_0 = arith.constant 0 : i32
    return %arg0, %c0_i32 : i32, i32
  }
}

module attributes {stable_mosaic.version = 14 : i64} {
  func.func @final_body(%arg0: i32, %arg1: memref<2x1264x144xf32, #tpu.memory_space<vmem>>, %arg2: memref<1264x144xf32, #tpu.memory_space<vmem>>, %arg3: memref<1264x16xf32, #tpu.memory_space<vmem>>, %arg4: memref<1x128xf32, #tpu.memory_space<vmem>>, %arg5: memref<1264x128xf32, #tpu.memory_space<vmem>>) attributes {dimension_semantics = [#tpu.dimension_semantics<arbitrary>], iteration_bounds = array<i64: 8>, scalar_prefetch = 0 : i64, scratch_operands = 0 : i64, tpu.core_type = #tpu.core_type<tc>, window_params = [{transform_indices = @transform_0, window_bounds = array<i64: 2, 1264, 144>}, {transform_indices = @transform_1, window_bounds = array<i64: 1264, 144>}, {transform_indices = @transform_2, window_bounds = array<i64: 1264, 16>}, {pipeline_mode = #tpu.pipeline_mode<synchronous>, transform_indices = @transform_3, window_bounds = array<i64: 1, 128>}, {transform_indices = @transform_4, window_bounds = array<i64: 1264, 128>}]} {
    %get3A = arith.constant 0 : index
    %get3A_0 = arith.constant 0 : index
    %get3A_1 = arith.constant 0 : index
    %get3A_2 = vector.load %arg1[%get3A, %get3A_0, %get3A_1] : memref<2x1264x144xf32, #tpu.memory_space<vmem>>, vector<1x1264x144xf32>
    %get3A_3 = vector.shape_cast %get3A_2 : vector<1x1264x144xf32> to vector<1264x144xf32>
    %get3A_4 = arith.constant 1 : index
    %get3A_5 = arith.constant 0 : index
    %get3A_6 = arith.constant 0 : index
    %get3A_7 = vector.load %arg1[%get3A_4, %get3A_5, %get3A_6] : memref<2x1264x144xf32, #tpu.memory_space<vmem>>, vector<1x1264x144xf32>
    %get3A_8 = vector.shape_cast %get3A_7 : vector<1x1264x144xf32> to vector<1264x144xf32>
    %add3A = arith.addf %get3A_3, %get3A_8 : vector<1264x144xf32>
    %slice3A = vector.extract_strided_slice %add3A {offsets = [0, 0], sizes = [1264, 128], strides = [1, 1]} : vector<1264x144xf32> to vector<1264x128xf32>
    %slice3A_9 = vector.extract_strided_slice %add3A {offsets = [0, 128], sizes = [1264, 1], strides = [1, 1]} : vector<1264x144xf32> to vector<1264x1xf32>
    %get3A_10 = arith.constant 0 : index
    %get3A_11 = arith.constant 0 : index
    %get3A_12 = vector.load %arg2[%get3A_10, %get3A_11] : memref<1264x144xf32, #tpu.memory_space<vmem>>, vector<1264x144xf32>
    %slice3A_13 = vector.extract_strided_slice %get3A_12 {offsets = [0, 0], sizes = [1264, 128], strides = [1, 1]} : vector<1264x144xf32> to vector<1264x128xf32>
    %get3A_14 = arith.constant 0 : index
    %get3A_15 = arith.constant 0 : index
    %get3A_16 = vector.load %arg2[%get3A_14, %get3A_15] : memref<1264x144xf32, #tpu.memory_space<vmem>>, vector<1264x144xf32>
    %slice3A_17 = vector.extract_strided_slice %get3A_16 {offsets = [0, 128], sizes = [1264, 1], strides = [1, 1]} : vector<1264x144xf32> to vector<1264x1xf32>
    %get3A_18 = arith.constant 0 : index
    %get3A_19 = arith.constant 0 : index
    %get3A_20 = vector.load %arg3[%get3A_18, %get3A_19] : memref<1264x16xf32, #tpu.memory_space<vmem>>, vector<1264x16xf32>
    %slice3A_21 = vector.extract_strided_slice %get3A_20 {offsets = [0, 0], sizes = [1264, 1], strides = [1, 1]} : vector<1264x16xf32> to vector<1264x1xf32>
    %add3A_22 = arith.addf %slice3A_17, %slice3A_21 : vector<1264x1xf32>
    %mul3A = arith.constant 2.000000e-01 : f32
    %mul3A_23 = vector.broadcast %mul3A : f32 to vector<1264x1xf32>
    %mul3A_24 = arith.mulf %add3A_22, %mul3A_23 : vector<1264x1xf32>
    %max3A = arith.maximumf %add3A_22, %mul3A_24 : vector<1264x1xf32>
    %exp3A = math.exp %max3A : vector<1264x1xf32>
    %mul3A_25 = vector.broadcast %exp3A : vector<1264x1xf32> to vector<1264x128xf32>
    %mul3A_26 = arith.mulf %mul3A_25, %slice3A_13 : vector<1264x128xf32>
    %add3A_27 = arith.addf %slice3A, %mul3A_26 : vector<1264x128xf32>
    %add3A_28 = arith.addf %slice3A_9, %exp3A : vector<1264x1xf32>
    %div3A = vector.broadcast %add3A_28 : vector<1264x1xf32> to vector<1264x128xf32>
    %div3A_29 = arith.divf %add3A_27, %div3A : vector<1264x128xf32>
    %get3A_30 = arith.constant 0 : index
    %get3A_31 = arith.constant 0 : index
    %get3A_32 = vector.load %arg4[%get3A_30, %get3A_31] : memref<1x128xf32, #tpu.memory_space<vmem>>, vector<1x128xf32>
    %add3A_33 = vector.broadcast %get3A_32 : vector<1x128xf32> to vector<1264x128xf32>
    %add3A_34 = arith.addf %div3A_29, %add3A_33 : vector<1264x128xf32>
    %swap3A = arith.constant 0 : index
    %swap3A_35 = arith.constant 0 : index
    %swap3A_36 = vector.load %arg5[%swap3A, %swap3A_35] : memref<1264x128xf32, #tpu.memory_space<vmem>>, vector<1264x128xf32>
    tpu.vector_store %arg5[%swap3A, %swap3A_35], %add3A_34 {strides = array<i32>} : memref<1264x128xf32, #tpu.memory_space<vmem>>, vector<1264x128xf32>,
    return
  }
  func.func @transform_0(%arg0: i32) -> (i32, i32, i32) {
    %c0_i32 = arith.constant 0 : i32
    %c0_i32_0 = arith.constant 0 : i32
    %c0_i32_1 = arith.constant 0 : i32
    return %c0_i32, %arg0, %c0_i32_0 : i32, i32, i32
  }
  func.func @transform_1(%arg0: i32) -> (i32, i32) {
    %c0_i32 = arith.constant 0 : i32
    %c0_i32_0 = arith.constant 0 : i32
    return %arg0, %c0_i32 : i32, i32
  }
  func.func @transform_2(%arg0: i32) -> (i32, i32) {
    %c0_i32 = arith.constant 0 : i32
    %c0_i32_0 = arith.constant 0 : i32
    return %arg0, %c0_i32 : i32, i32
  }
  func.func @transform_3(%arg0: i32) -> (i32, i32) {
    %c0_i32 = arith.constant 0 : i32
    %c0_i32_0 = arith.constant 0 : i32
    %c0_i32_1 = arith.constant 0 : i32
    return %c0_i32, %c0_i32_0 : i32, i32
  }
  func.func @transform_4(%arg0: i32) -> (i32, i32) {
    %c0_i32 = arith.constant 0 : i32
    %c0_i32_0 = arith.constant 0 : i32
    return %arg0, %c0_i32 : i32, i32
  }
}

</mosaic_0001>

<sc_bundles>
// kernel: kernel.10.cloned.1.call-start
scs
__scs_entry_jumppad:
0x0: {  	(pc) =	sbr.rel $0x88, $3  }
0x1: {  	(tag) =	ssettag $0x0;
	lr =	simm.s32 $0x1  }
0x2: {  	[smem:$0x3F97] =	sst lr;
	_ =	strace $0xD0000000  }
0x3: {  	_ = 	snop  }
0x4: {  	_ = 	snop  }
0x5: {  	_ = 	snop  }
0x6: {  	_ = 	snop  }
0x7: {  	_ = 	snop  }
__scs_overlays_trampoline_lowered:
0x8: {  	[smem:$0x3FA6] =	sst s0  }
0x9: {  	[smem:$0x3FA7] =	sst s1  }
0xa: {  	[smem:$0x3FA8] =	sst s2  }
0xb: {  	[smem:$0x3FA9] =	sst s3  }
0xc: {  	[smem:$0x3FAA] =	sst s4  }
0xd: {  	[smem:$0x3FAB] =	sst s5  }
0xe: {  	[smem:$0x3FAC] =	sst s6  }
0xf: {  	[smem:$0x3FAD] =	sst s7  }
0x10: {  	[smem:$0x3FAE] =	sst s8  }
0x11: {  	[smem:$0x3FAF] =	sst s9;
	s0 =	simm.s32 @!p0 $0x0  }
0x12: {  	s1 =	sld [smem:$0x3F95];
	s0 =	simm.s32 @p0 $0x1  }
0x13: {  	[smem:$0x3FB0] =	sst s0;
	s0 =	simm.s32 @!p1 $0x0  }
0x14: {  	s2 =	sld [smem:$0x3F94];
	s0 =	simm.s32 @p1 $0x1  }
0x15: {  	[smem:$0x3FB1] =	sst s0;
	s0 =	simm.s32 @!p2 $0x0  }
0x16: {  	s3 =	sld [smem:$0x3FDB];
	s0 =	simm.s32 @p2 $0x1  }
0x17: {  	s4 =	simm.s32 $0x1BF5;
	[smem:$0x3FB3] =	sst s0  }
0x18: {  	s0 =	sld [smem:$0x3F96];
	_ =	swait.ge [sflag:s4], $0x0  }
0x19: {  	s7 =	sld [smem:$0x3F97]  }
0x1a: {  	s8 =	sadd.s32 $0xFFFFE003, lr  }
0x1b: {  	s9 =	sadd.s32 $0xFFFFFEF7, lr;
	s5 =	simm.s32 $0xFFFFFFFF;
	p2 =	slt.u32 s8, $0xFFFFF086  }
0x1c: {  	p1 =	slt.u32 s9, $0xF7A;
	s5 =	simm.s32 @!p2 $0x0  }
0x1d: {  	s5 =	simm.s32 @p1 $0x1;
	p0 =	seq.s32 s7, s2  }
0x1e: {  	s7 =	smul.u32 @!p0 $0xF7A, s2;
	p2 =	seq.s32 @!p0 s5, $0x0  }
0x1f: {  	s9 =	smul.u32 $0xF7A, s1;
	s8 =	simm.s32 @!p0 $0x1BF5;
	p2 =	por !p2, p0  }
0x20: {  	[sflag:s8] =	ssyncset.s32 @!p0 $0xFFFFF086;
	s6 =	sadd.s32 @!p0 s3, s7;
	s7 =	simm.s32 @!p0 $0x108  }
0x21: {  	s3 =	sadd.s32 s3, s9;
	s6 =	sadd.s32 @!p0 $0x88, s6;
	s7 =	simm.s32 @p2 $0x1082  }
0x22: {  	[simem:s7], [sflag:s8] =	dma.local @!p0 [hbm:s6], $0xF7A  }
0x23: {  	s9 =	sor.u32 $0xD0000000, s2;
	s6 =	simm.s32 $0x108;
	_ =	swait.ge @!p0 [sflag:s8], $0x0  }
0x24: {  	s3 =	sadd.s32 $0x88, s3;
	s6 =	simm.s32 @!p1 $0x1082;
	[sflag:s4] =	ssyncset.s32 $0xFFFFF086  }
0x25: {  	[simem:s6], [sflag:s4] =	dma.local [hbm:s3], $0xF7A  }
0x26: {  	[smem:$0x3F97] =	sst s1;
	(tag) =	ssettag s2;
	_ =	strace s9  }
0x27: {  	s1 =	sld [smem:$0x3FA7]  }
0x28: {  	s2 =	sld [smem:$0x3FA8]  }
0x29: {  	s4 =	sld [smem:$0x3FAA]  }
0x2a: {  	p0 =	seq.s32 s5, $0x0;
	s5 =	sld [smem:$0x3FAB]  }
0x2b: {  	s6 =	sld [smem:$0x3FAC]  }
0x2c: {  	s7 =	sld [smem:$0x3FAD]  }
0x2d: {  	s3 =	simm.s32 $0x108;
	s8 =	sld [smem:$0x3FAE]  }
0x2e: {  	s3 =	simm.s32 @!p0 $0x1082;
	s9 =	sld [smem:$0x3FAF]  }
0x2f: {  	lr =	sadd.s32 s0, s3;
	s0 =	sld [smem:$0x3FA6]  }
0x30: {  	s3 =	sld [smem:$0x3FA9]  }
0x31: {  	[smem:$0x3FB2] =	sst s10  }
0x32: {  	s10 =	sld [smem:$0x3FB0];
	_ =	sdelay $0x3  }
0x33: {  	p0 =	seq.s32 s10, $0x1;
	s10 =	sld [smem:$0x3FB2];
	_ =	sdelay $0x3  }
0x34: {  	[smem:$0x3FB2] =	sst s10  }
0x35: {  	s10 =	sld [smem:$0x3FB1];
	_ =	sdelay $0x3  }
0x36: {  	p1 =	seq.s32 s10, $0x1;
	s10 =	sld [smem:$0x3FB2];
	_ =	sdelay $0x3  }
0x37: {  	[smem:$0x3FB2] =	sst s10  }
0x38: {  	s10 =	sld [smem:$0x3FB3]  }
0x39: {  	_ = 	snop;
	(pc) =	sbr.ind lr, $3  }
0x3a: {  	_ = 	snop  }
0x3b: {  	_ = 	snop  }
0x3c: {  	p2 =	seq.s32 s10, $0x1;
	s10 =	sld [smem:$0x3FB2]  }
0x3d: {  	_ =	shalt  }
0x3e: {  	_ =	shalt  }
0x3f: {  	_ =	shalt  }
0x40: {  	_ =	shalt  }
0x41: {  	_ =	shalt  }
0x42: {  	_ =	shalt  }
0x43: {  	_ =	shalt  }
0x44: {  	_ =	shalt  }
0x45: {  	_ =	shalt  }
0x46: {  	_ =	shalt  }
0x47: {  	_ =	shalt  }
0x48: {  	_ =	shalt  }
0x49: {  	_ =	shalt  }
0x4a: {  	_ =	shalt  }
0x4b: {  	_ =	shalt  }
0x4c: {  	_ =	shalt  }
0x4d: {  	_ =	shalt  }
0x4e: {  	_ =	shalt  }
0x4f: {  	_ =	shalt  }
0x50: {  	_ =	shalt  }
0x51: {  	_ =	shalt  }
0x52: {  	_ =	shalt  }
0x53: {  	_ =	shalt  }
0x54: {  	_ =	shalt  }
0x55: {  	_ =	shalt  }
0x56: {  	_ =	shalt  }
0x57: {  	_ =	shalt  }
0x58: {  	_ =	shalt  }
0x59: {  	_ =	shalt  }
0x5a: {  	_ =	shalt  }
0x5b: {  	_ =	shalt  }
0x5c: {  	_ =	shalt  }
0x5d: {  	_ =	shalt  }
0x5e: {  	_ =	shalt  }
0x5f: {  	_ =	shalt  }
0x60: {  	_ =	shalt  }
0x61: {  	_ =	shalt  }
0x62: {  	_ =	shalt  }
0x63: {  	_ =	shalt  }
0x64: {  	_ =	shalt  }
0x65: {  	_ =	shalt  }
0x66: {  	_ =	shalt  }
0x67: {  	_ =	shalt  }
0x68: {  	_ =	shalt  }
0x69: {  	_ =	shalt  }
0x6a: {  	_ =	shalt  }
0x6b: {  	_ =	shalt  }
0x6c: {  	_ =	shalt  }
0x6d: {  	_ =	shalt  }
0x6e: {  	_ =	shalt  }
0x6f: {  	_ =	shalt  }
0x70: {  	_ =	shalt  }
0x71: {  	_ =	shalt  }
0x72: {  	_ =	shalt  }
0x73: {  	_ =	shalt  }
0x74: {  	_ =	shalt  }
0x75: {  	_ =	shalt  }
0x76: {  	_ =	shalt  }
0x77: {  	_ =	shalt  }
0x78: {  	_ =	shalt  }
0x79: {  	_ =	shalt  }
0x7a: {  	_ =	shalt  }
0x7b: {  	_ =	shalt  }
0x7c: {  	_ =	shalt  }
0x7d: {  	_ =	shalt  }
0x7e: {  	_ =	shalt  }
0x7f: {  	_ =	shalt  }
0x80: {  	_ =	shalt  }
0x81: {  	_ =	shalt  }
0x82: {  	_ =	shalt  }
0x83: {  	_ =	shalt  }
0x84: {  	_ =	shalt  }
0x85: {  	_ =	shalt  }
0x86: {  	_ =	shalt  }
0x87: {  	_ =	shalt  }
.Lfunc_end0:
.L_simem_size_0:
called_computation.1_lowered:
.L_overlay_start_0:
0x88: {  	s2 =	sld [smem:$0x3FD9]  }
0x89: {  	s3 =	sld [smem:$0x3FFE];
	_ =	sdelay $0x1  }
0x8a: {  	s1 =	srdreg.scid  }
0x8b: {  	s0 =	sand.u32 $0x1, s1  }
0x8c: {  	s17 =	sshll.u32 s0, $0xA;
	s2 =	sadd.s32 s3, s2  }
0x8d: {  	s2 =	sadd.s32 s2, s17  }
0x8e: {  	[smem:$0x3FBE] =	sst s2  }
0x8f: {  	_ = 	snop  }
0x90: {  	s2 =	sld [smem:$0x3FD0];
	(tm) =	ssettm $0x1  }
0x91: {  	s18 =	sld [smem:$0x3FFB];
	_ =	sdelay $0x3  }
0x92: {  	_ =	strace s18  }
0x93: {  	s3 =	sld [smem:$0x3FFC];
	_ =	sdelay $0x3  }
0x94: {  	_ =	strace s3  }
0x95: {  	s3 =	sld [smem:$0x3FFD];
	_ =	sdelay $0x3  }
0x96: {  	_ =	strace s3  }
0x97: {  	_ =	strace $0x8FFFFFFF  }
0x98: {  	s19 =	sld [smem:$0x3FDB];
	_ =	sdelay $0x1  }
0x99: {  	s4 =	simm.s32 $_scs_section_size  }
0x9a: {  	s5 =	simm.s32 $_size__tile_overlayer_lowered;
	s6 =	simm.s32 $_tile_overlayer_lowered  }
0x9b: {  	s22 =	simm.s32 $0x1BFF;
	s21 =	sshll.u32 s6, $0x1;
	s3 =	sadd.s32 s4, s19  }
0x9c: {  	s7 =	simm.s32 $0x0;
	s20 =	sshll.u32 s5, $0x1;
	s5 =	sadd.s32 s21, s3  }
0x9d: {  	[timem:s7], [sflag:s22] =	dma.local [hbm:s5], s20  }
0x9e: {  	_ =	swait.ge [sflag:s22], s20  }
0x9f: {  	s4 =	ssub.s32 $0x0, s20;
	[sflag:s22] =	ssyncset.done $0x0  }
0xa0: {  	[sflag:s22] =	ssyncadd.s32 s4;
	_ =	sdelay $0x1  }
0xa1: {  	s23 =	simm.s32 $0x1B8B  }
0xa2: {  	_ =	swait.ge [sflag:s23], $0x1  }
0xa3: {  	[sflag:s23] =	ssyncset.done $0x0  }
0xa4: {  	s25 =	simm.s32 $0x1B8E;
	s24 =	sld [smem:$0x3FFE];
	[sflag:s23] =	ssyncadd.s32 $0xFFFFFFFF  }
0xa5: {  	s26 =	simm.s32 $execute0_lowered;
	[smem:$0x3FD2] =	sst s25  }
0xa6: {  	s5 =	sshll.u32 s26, $0x1;
	_ =	strace $0x80000049;
	[dreg:$0x1] =	wrdreg $0xFFFFFFFF  }
0xa7: {  	s28 =	simm.s32 $_size_execute0_lowered;
	s3 =	sadd.s32 s3, s5;
	[dreg:$0x0] =	wrdreg $0x0  }
0xa8: {  	s5 =	sshll.u32 s28, $0x1;
	[dreg:$0x2] =	wrdreg s3  }
0xa9: {  	[dreg:$0x3] =	wrdreg s5  }
0xaa: {  	[dreg:$0x4] =	wrdreg $0xC0  }
0xab: {  	_ =	task [dreg:s7], $0x5FFFF  }
0xac: {  	[dreg:$0x1] =	wrdreg $0xFFFFFFFF  }
0xad: {  	[dreg:$0x0] =	wrdreg $0x60  }
0xae: {  	[dreg:$0x2] =	wrdreg s24  }
0xaf: {  	[dreg:$0x3] =	wrdreg s2  }
0xb0: {  	[dreg:$0x4] =	wrdreg $0x99000  }
0xb1: {  	[dreg:$0x5] =	wrdreg $0x9  }
0xb2: {  	_ =	task.clear_ibuf [dreg:s7], $0x6FFFF;
	_ =	strace $0x90000049  }
0xb3: {  	s29 =	simm.s32 $0x9;
	_ =	strace $0x8000004B  }
0xb4: {  	_ =	swait.ge [sflag:s29], $0x1  }
0xb5: {  	[sflag:s29] =	ssyncadd.s32 $0xFFFFFFFF  }
0xb6: {  	_ =	strace $0x9000004B  }
0xb7: {  	_ =	sfence  }
0xb8: {  	s30 =	sld [smem:$0x0];
	_ =	sdelay $0x2  }
0xb9: {  	s31 =	sshll.u32 s1, $0xD;
	s1 =	sshrl.u32 s1, $0x2  }
0xba: {  	s3 =	sand.u32 $0x4000, s31;
	s1 =	sadd.s32 s1, s30  }
0xbb: {  	s0 =	sor.u32 s3, s0;
	s1 =	sshll.u32 s1, $0x11  }
0xbc: {  	s0 =	sor.u32 s1, s0  }
0xbd: {  	s0 =	sadd.s32 $0x8F2B, s0  }
0xbe: {  	[sflag:s0] =	ssyncadd.remote.s32 $0x1  }
0xbf: {  	_ =	sfence.sel $0xFFFF  }
0xc0: {  	[dreg:$0x0] =	wrdreg $0xFFFFFFFF;
	(pc) =	sbr.abs _section_cstart, $3  }
0xc1: {  	[dreg:$0x1] =	wrdreg $0xFFFFFFFF  }
0xc2: {  	_ =	task.clear_ibuf [dreg:s7], $0x2FFFF;
	_ =	strace $0x9FFFFFFF  }
0xc3: {  	(tm) =	ssettm $0x7FFFFFFF  }
tec
execute0_lowered:
.L_overlay_start_1:
0x0: {  	(tag) =	ssettag $0x1  }
0x1: {  	s8 =	rddreg [dreg:$0x0]  }
0x2: {  	s1 =	rddreg [dreg:$0x1]  }
0x3: {  	s2 =	rddreg [dreg:$0x2]  }
0x4: {  	s3 =	srdreg.scid;
	s0 =	rddreg [dreg:$0x3];
	s4 =	simm.s32 $0x0  }
0x5: {  	s16 =	simm.s32 $0x5000;
	s17 =	simm.s32 $0x3;
	s18 =	simm.s32 $0x9800  }
0x6: {  	s19 =	simm.s32 $0x9880;
	s20 =	simm.s32 $0x80;
	s21 =	simm.s32 $0x1  }
0x7: {  	s22 =	simm.s32 $0x2;
	s9 =	sand.u32 $0x1, s3;
	s3 =	stileid.u32  }
0x8: {  	[smem:$0x7FF] =	sst s4;
	s5 =	sadd.s32 $0x15E00, s8;
	s6 =	smul.u32 $0x163800, s9  }
0x9: {  	s7 =	sadd.s32 $0x2200, s8;
	s12 =	smul.u32 $0x16380, s3;
	_ =	strace $0x8000004A  }
0xa: {  	s11 =	smul.u32 $0x58E00, s3;
	s28 =	ssub.s32 $0x2, s9;
	s14 =	sshll.u32 s3, $0x1  }
0xb: {  	s30 =	sshrl.u32 s28, $0x1;
	s31 =	sor.u32 s9, s14;
	s10 =	sadd.s32 s12, s6  }
0xc: {  	s6 =	sadd.s32 $0xC000, s8;
	s29 =	sshrl.u32 s11, $0x2;
	s15 =	ssub.s32 s28, s30  }
0xd: {  	s23 =	sadd.s32 s12, s2;
	s10 =	sshrl.u32 s10, $0x3;
	s12 =	smax.u32 s15, $0x1  }
0xe: {  	s23 =	sshrl.u32 s23, $0x3;
	s13 =	sadd.s32 s10, s8;
	s8 =	sadd.s32 s29, s2  }
0xf: {  	s10 =	smul.u32 $0x2780, s31;
	s9 =	sadd.s32 $0x12000, s8;
	s11 =	sadd.s32 $0x42600, s13  }
0x10: {  	v0 =	vimm.f32 $0.0e+00;
	s13 =	sadd.s32 $0x4800, s8;
	s14 =	sadd.s32 $0x9000, s8;
	s15 =	sadd.s32 $0xD800, s8  }
.LBB2_1:
0x11: {  	s24 =	simm.s32 $0x80;
	s25 =	simm.s32 $0x440  }
.LBB2_2:
0x12: {  	p0 =	sne.s32 s25, $0x11FC0;
	[tilespmem:s24+$0x5000] =	vst v0  }
0x13: {  	[tilespmem:s24+$0x4F80] =	vst v0  }
0x14: {  	[tilespmem:s24+$0x4F90] =	vst v0  }
0x15: {  	[tilespmem:s24+$0x4FA0] =	vst v0  }
.Ltmp0:
0x16: {  	[tilespmem:s24+$0x4FB0] =	vst v0;
	(pc) =	sbr.rel @p0 .LBB2_2-.Ltmp0, $4  }
0x17: {  	[tilespmem:s24+$0x4FC0] =	vst v0  }
0x18: {  	[tilespmem:s24+$0x4FD0] =	vst v0  }
0x19: {  	[tilespmem:s24+$0x4FE0] =	vst v0  }
0x1a: {  	[tilespmem:s24+$0x4FF0] =	vst v0;
	s24 =	sshra.s32 s25, $0x2;
	s25 =	sadd.s32 $0x240, s25  }
0x1b: {  	[tilespmem:s24+$0x5000] =	vst v0  }
0x1c: {  	[tilespmem:s24+$0x4F80] =	vst v0  }
0x1d: {  	[tilespmem:s24+$0x4F90] =	vst v0  }
0x1e: {  	[tilespmem:s24+$0x4FA0] =	vst v0  }
0x1f: {  	[tilespmem:s24+$0x4FB0] =	vst v0  }
0x20: {  	[tilespmem:s24+$0x4FC0] =	vst v0  }
0x21: {  	[tilespmem:s24+$0x4FD0] =	vst v0  }
0x22: {  	[tilespmem:s24+$0x4FE0] =	vst v0  }
0x23: {  	[tilespmem:s24+$0x4FF0] =	vst v0  }
0x24: {  	[spmem:s8] =	stream.linear.scatter [tilespmem:s16], [sflag:$0x3], $0x4800, $0x38;
	[tilespmem:$0x1FC80] =	vst v63  }
0x25: {  	_ =	swait.ge [sflag:s17], $0x4800  }
0x26: {  	[sflag:s17] =	ssyncset.done $0x0  }
0x27: {  	[sflag:s17] =	ssyncadd.s32 $0xFFFFB800  }
0x28: {  	[spmem:s13] =	stream.linear.scatter [tilespmem:s16], [sflag:$0x3], $0x4800, $0x38;
	[tilespmem:$0x1FC80] =	vst v63  }
0x29: {  	_ =	swait.ge [sflag:s17], $0x4800  }
0x2a: {  	[sflag:s17] =	ssyncset.done $0x0  }
0x2b: {  	[sflag:s17] =	ssyncadd.s32 $0xFFFFB800  }
0x2c: {  	[spmem:s14] =	stream.linear.scatter [tilespmem:s16], [sflag:$0x3], $0x4800, $0x38;
	[tilespmem:$0x1FC80] =	vst v63  }
0x2d: {  	_ =	swait.ge [sflag:s17], $0x4800  }
0x2e: {  	[sflag:s17] =	ssyncset.done $0x0  }
0x2f: {  	[sflag:s17] =	ssyncadd.s32 $0xFFFFB800  }
0x30: {  	[spmem:s15] =	stream.linear.scatter [tilespmem:s16], [sflag:$0x3], $0x4800, $0x38;
	[tilespmem:$0x1FC80] =	vst v63  }
0x31: {  	_ =	swait.ge [sflag:s17], $0x4800  }
0x32: {  	[sflag:s17] =	ssyncset.done $0x0  }
0x33: {  	[sflag:s17] =	ssyncadd.s32 $0xFFFFB800  }
0x34: {  	[spmem:s9] =	stream.linear.scatter [tilespmem:s16], [sflag:$0x3], $0x4380, $0x38;
	[tilespmem:$0x1FC80] =	vst v63  }
0x35: {  	_ =	swait.ge [sflag:s17], $0x4380  }
0x36: {  	[sflag:s17] =	ssyncset.done $0x0  }
0x37: {  	[sflag:s17] =	ssyncadd.s32 $0xFFFFBC80  }
0x38: {  	s24 =	simm.s32 $0x0;
	s25 =	simm.s32 $0x0;
	[bflag:$0x0] =	sbarrier.arrive $0xFFFF  }
.LBB2_4:
0x39: {  	s26 =	sshll.u32 s25, $0x7  }
0x3a: {  	s26 =	sadd.s32 s10, s26  }
0x3b: {  	s26 =	sshrl.u32 s26, $0x3  }
0x3c: {  	s28 =	sadd.s32 s6, s26  }
0x3d: {  	[tilespmem:s18], [sflag:$0x3] =	stream.linear.gather [hbm4b:s28+s24], $0x80, $0x38;
	[tilespmem:$0x1FC80] =	vst v63  }
0x3e: {  	_ =	swait.ge [sflag:s17], $0x80  }
0x3f: {  	[sflag:s17] =	ssyncset.done $0x0  }
0x40: {  	s26 =	sadd.s32 s7, s26;
	[sflag:s17] =	ssyncadd.s32 $0xFFFFFF80  }
0x41: {  	[tilespmem:s19], [sflag:$0x3] =	stream.linear.gather [hbm4b:s26+s24], $0x80, $0x38;
	[tilespmem:$0x1FC80] =	vst v63  }
0x42: {  	_ =	swait.ge [sflag:s17], $0x80  }
0x43: {  	[sflag:s17] =	ssyncset.done $0x0  }
0x44: {  	[sflag:s17] =	ssyncadd.s32 $0xFFFFFF80  }
0x45: {  	[tilespmem:s24], [sflag:$0x1] =	stream.indirect.gather [hbm4b:s5+s20], $0x90, s18, s20, $0xb8;
	[tilespmem:$0x1FC80] =	vst v63  }
0x46: {  	s28 =	simm.s32 $0x4800  }
0x47: {  	[tilespmem:s28], [sflag:$0x2] =	stream.indirect.gather [hbm4b:s1+s20], $0x10, s19, s20, $0xb8;
	[tilespmem:$0x1FC80] =	vst v63  }
0x48: {  	_ =	swait.ge [sflag:s21], $0x4800  }
0x49: {  	[sflag:s21] =	ssyncset.done $0x0  }
0x4a: {  	[sflag:s21] =	ssyncadd.s32 $0xFFFFB800  }
0x4b: {  	_ =	swait.ge [sflag:s22], $0x800  }
0x4c: {  	[sflag:s22] =	ssyncset.done $0x0  }
0x4d: {  	s26 =	simm.s32 $0x0;
	[sflag:s22] =	ssyncadd.s32 $0xFFFFF800  }
0x4e: {  	s29 =	simm.s32 $0x240;
	v1 =	vld [tilespmem:s26+$0x80]  }
.LBB2_5:
0x4f: {  	p0 =	sne.s32 s29, $0x11DC0;
	v2 =	vld [tilespmem:s28+$0x0];
	_ =	sdelay $0x4  }
0x50: {  	v1 =	vadd.f32 v2, v1;
	_ =	sdelay $0x1  }
0x51: {  	v2 =	vmul.f32 $2.000000030e-01, v1;
	_ =	sdelay $0x1  }
0x52: {  	v1 =	vmax.f32 v1, v2  }
0x53: {  	v1 =	vmul.f32 $1.442695020e+00, v1;
	_ =	sdelay $0x1  }
0x54: {  	(erf) = vpow2.f32 v1  }
0x55: {  	v1 =	vld [tilespmem:s26+$0x0]  }
0x56: {  	v2 =	vld [tilespmem:s26+$0x10]  }
0x57: {  	v3 =	vld [tilespmem:s26+$0x20]  }
0x58: {  	v4 =	vld [tilespmem:s26+$0x30]  }
0x59: {  	v5 =	vld [tilespmem:s26+$0x40]  }
0x5a: {  	v6 =	vld [tilespmem:s26+$0x50]  }
0x5b: {  	v7 =	vld [tilespmem:s26+$0x60]  }
0x5c: {  	v8 =	vld [tilespmem:s26+$0x70]  }
0x5d: {  	v9 =	vpop (erf)  }
0x5e: {  	[tilespmem:s26+$0x5080] =	vst v9;
	v1 =	vmul.f32 v9, v1;
	v2 =	vmul.f32 v9, v2  }
0x5f: {  	v3 =	vmul.f32 v3, v9;
	v4 =	vmul.f32 v4, v9  }
0x60: {  	[tilespmem:s26+$0x5000] =	vst v1;
	v1 =	vmul.f32 v5, v9;
	v5 =	vmul.f32 v6, v9  }
0x61: {  	[tilespmem:s26+$0x5010] =	vst v2;
	v2 =	vmul.f32 v7, v9;
	v6 =	vmul.f32 v8, v9  }
0x62: {  	[tilespmem:s26+$0x5020] =	vst v3  }
.Ltmp1:
0x63: {  	[tilespmem:s26+$0x5030] =	vst v4;
	(pc) =	sbr.rel @p0 .LBB2_5-.Ltmp1, $4  }
0x64: {  	[tilespmem:s26+$0x5040] =	vst v1  }
0x65: {  	[tilespmem:s26+$0x5050] =	vst v5  }
0x66: {  	s30 =	sshra.s32 s29, $0x2;
	[tilespmem:s26+$0x5060] =	vst v2  }
0x67: {  	s29 =	sadd.s32 $0x240, s29;
	s28 =	sadd.s32 $0x10, s28;
	v1 =	vld [tilespmem:s30+$0x80];
	[tilespmem:s26+$0x5070] =	vst v6;
	s26 =	smov.u32 s30  }
0x68: {  	v2 =	vld [tilespmem:s28+$0x0];
	_ =	sdelay $0x4  }
0x69: {  	v1 =	vadd.f32 v2, v1;
	_ =	sdelay $0x1  }
0x6a: {  	v2 =	vmul.f32 $2.000000030e-01, v1;
	_ =	sdelay $0x1  }
0x6b: {  	v1 =	vmax.f32 v1, v2  }
0x6c: {  	v1 =	vmul.f32 $1.442695020e+00, v1;
	_ =	sdelay $0x1  }
0x6d: {  	(erf) = vpow2.f32 v1;
	_ =	sdelay $0x4  }
0x6e: {  	v1 =	vld [tilespmem:s26+$0x0]  }
0x6f: {  	v2 =	vld [tilespmem:s26+$0x10]  }
0x70: {  	v3 =	vld [tilespmem:s26+$0x20]  }
0x71: {  	v4 =	vld [tilespmem:s26+$0x30]  }
0x72: {  	v5 =	vld [tilespmem:s26+$0x40];
	v8 =	vpop (erf)  }
0x73: {  	v6 =	vld [tilespmem:s26+$0x50];
	v1 =	vmul.f32 v8, v1  }
0x74: {  	v7 =	vld [tilespmem:s26+$0x60];
	[tilespmem:s26+$0x5080] =	vst v8;
	v2 =	vmul.f32 v8, v2  }
0x75: {  	v9 =	vld [tilespmem:s26+$0x70];
	v3 =	vmul.f32 v3, v8;
	[tilespmem:s26+$0x5000] =	vst v1  }
0x76: {  	v1 =	vmul.f32 v4, v8;
	[tilespmem:s26+$0x5010] =	vst v2  }
0x77: {  	v2 =	vmul.f32 v5, v8;
	[tilespmem:s26+$0x5020] =	vst v3  }
0x78: {  	v3 =	vmul.f32 v6, v8;
	[tilespmem:s26+$0x5030] =	vst v1  }
0x79: {  	v1 =	vmul.f32 v7, v8;
	[tilespmem:s26+$0x5040] =	vst v2  }
0x7a: {  	s25 =	sadd.s32 $0x1, s25;
	v2 =	vmul.f32 v9, v8;
	[tilespmem:s26+$0x5050] =	vst v3  }
0x7b: {  	p0 =	sne.s32 s25, $0x4F;
	[tilespmem:s26+$0x5060] =	vst v1  }
.Ltmp2:
0x7c: {  	[tilespmem:s26+$0x5070] =	vst v2;
	(pc) =	sbr.rel @p0 .LBB2_4-.Ltmp2, $4  }
0x7d: {  	[spmem:s2] =	stream.indirect.scatter.add.f32 [tilespmem:s16], [sflag:$0x3], $0x90, s19, s20, $0xb8;
	[tilespmem:$0x1FC80] =	vst v63  }
0x7e: {  	_ =	swait.ge [sflag:s17], $0x4800  }
0x7f: {  	[sflag:s17] =	ssyncset.done $0x0  }
0x80: {  	[sflag:s17] =	ssyncadd.s32 $0xFFFFB800  }
0x81: {  	s4 =	sadd.s32 $0x1, s4  }
0x82: {  	s24 =	sshll.u32 s3, $0x6;
	p0 =	sne.s32 s4, s12  }
.Ltmp3:
0x83: {  	[bflag:$0x0] =	sbarrier.arrive $0xFFFF;
	s24 =	sor.u32 $0x1C03, s24;
	(pc) =	sbr.rel @p0 .LBB2_1-.Ltmp3, $4  }
0x84: {  	[hbm:s11], [sflag:s24] =	dma.local [spmem:s23], $0x2C70  }
0x85: {  	_ =	swait.ge [sflag:s17], $0x2C70  }
0x86: {  	[sflag:s17] =	ssyncset.done $0x0  }
0x87: {  	[sflag:s17] =	ssyncadd.s32 $0xFFFFD390  }
0x88: {  	_ =	sfence.sel $0x180000  }
0x89: {  	[bflag:$0x0] =	sbarrier.arrive $0xFFFF  }
0x8a: {  	p0 =	sne.s32 s3, $0x0;
	_ =	strace $0x9000004A  }
0x8b: {  	s0 =	sadd.s32 @!p0 $0x100000, s0;
	[bflag:$0x2] =	sbarrier.arrive $0xFFFF  }
0x8c: {  	[sflag:s0] =	ssyncadd.tile.s32 @!p0 $0x1;
	_ =	shalt  }
.Lfunc_end2:
_tile_overlayer_lowered:
.L_overlay_start_2:
0x8d: {  	(tag) =	ssettag $0x2  }
0x8e: {  	s0 =	rddreg [dreg:$0x0];
	s2 =	stileid.u32  }
0x8f: {  	s1 =	rddreg [dreg:$0x1];
	p0 =	sne.s32 s2, $0x0  }
0x90: {  	s3 =	rddreg [dreg:$0x2];
	[bflag:$0x3] =	sbarrier.arrive $0xFFFF;
	s2 =	simm.s32 @!p0 $0x1C03  }
0x91: {  	[timem:s3], [sflag:s2] =	dma.local @!p0 [hbm:s0], s1  }
0x92: {  	s0 =	simm.s32 @!p0 $0x3  }
0x93: {  	_ =	swait.ge @!p0 [sflag:s0], s1  }
0x94: {  	s1 =	ssub.s32 @!p0 $0x0, s1;
	[sflag:s0] =	ssyncset.done @!p0 $0x0  }
0x95: {  	[sflag:s0] =	ssyncadd.s32 @!p0 s1  }
0x96: {  	[bflag:$0x3] =	sbarrier.arrive $0xFFFF  }
0x97: {  	_ =	shalt  }

// kernel: kernel.7.cloned.1.call-start
scs
__scs_entry_jumppad:
0x0: {  	(pc) =	sbr.rel $0x88, $3  }
0x1: {  	(tag) =	ssettag $0x0;
	lr =	simm.s32 $0x1  }
0x2: {  	[smem:$0x3F97] =	sst lr;
	_ =	strace $0xD0000000  }
0x3: {  	_ = 	snop  }
0x4: {  	_ = 	snop  }
0x5: {  	_ = 	snop  }
0x6: {  	_ = 	snop  }
0x7: {  	_ = 	snop  }
__scs_overlays_trampoline_lowered:
0x8: {  	[smem:$0x3FA6] =	sst s0  }
0x9: {  	[smem:$0x3FA7] =	sst s1  }
0xa: {  	[smem:$0x3FA8] =	sst s2  }
0xb: {  	[smem:$0x3FA9] =	sst s3  }
0xc: {  	[smem:$0x3FAA] =	sst s4  }
0xd: {  	[smem:$0x3FAB] =	sst s5  }
0xe: {  	[smem:$0x3FAC] =	sst s6  }
0xf: {  	[smem:$0x3FAD] =	sst s7  }
0x10: {  	[smem:$0x3FAE] =	sst s8  }
0x11: {  	[smem:$0x3FAF] =	sst s9;
	s0 =	simm.s32 @!p0 $0x0  }
0x12: {  	s1 =	sld [smem:$0x3F95];
	s0 =	simm.s32 @p0 $0x1  }
0x13: {  	[smem:$0x3FB0] =	sst s0;
	s0 =	simm.s32 @!p1 $0x0  }
0x14: {  	s2 =	sld [smem:$0x3F94];
	s0 =	simm.s32 @p1 $0x1  }
0x15: {  	[smem:$0x3FB1] =	sst s0;
	s0 =	simm.s32 @!p2 $0x0  }
0x16: {  	s3 =	sld [smem:$0x3FDB];
	s0 =	simm.s32 @p2 $0x1  }
0x17: {  	s4 =	simm.s32 $0x1BF5;
	[smem:$0x3FB3] =	sst s0  }
0x18: {  	s0 =	sld [smem:$0x3F96];
	_ =	swait.ge [sflag:s4], $0x0  }
0x19: {  	s7 =	sld [smem:$0x3F97]  }
0x1a: {  	s8 =	sadd.s32 $0xFFFFE003, lr  }
0x1b: {  	s9 =	sadd.s32 $0xFFFFFEF7, lr;
	s5 =	simm.s32 $0xFFFFFFFF;
	p2 =	slt.u32 s8, $0xFFFFF086  }
0x1c: {  	p1 =	slt.u32 s9, $0xF7A;
	s5 =	simm.s32 @!p2 $0x0  }
0x1d: {  	s5 =	simm.s32 @p1 $0x1;
	p0 =	seq.s32 s7, s2  }
0x1e: {  	s7 =	smul.u32 @!p0 $0xF7A, s2;
	p2 =	seq.s32 @!p0 s5, $0x0  }
0x1f: {  	s9 =	smul.u32 $0xF7A, s1;
	s8 =	simm.s32 @!p0 $0x1BF5;
	p2 =	por !p2, p0  }
0x20: {  	[sflag:s8] =	ssyncset.s32 @!p0 $0xFFFFF086;
	s6 =	sadd.s32 @!p0 s3, s7;
	s7 =	simm.s32 @!p0 $0x108  }
0x21: {  	s3 =	sadd.s32 s3, s9;
	s6 =	sadd.s32 @!p0 $0x88, s6;
	s7 =	simm.s32 @p2 $0x1082  }
0x22: {  	[simem:s7], [sflag:s8] =	dma.local @!p0 [hbm:s6], $0xF7A  }
0x23: {  	s9 =	sor.u32 $0xD0000000, s2;
	s6 =	simm.s32 $0x108;
	_ =	swait.ge @!p0 [sflag:s8], $0x0  }
0x24: {  	s3 =	sadd.s32 $0x88, s3;
	s6 =	simm.s32 @!p1 $0x1082;
	[sflag:s4] =	ssyncset.s32 $0xFFFFF086  }
0x25: {  	[simem:s6], [sflag:s4] =	dma.local [hbm:s3], $0xF7A  }
0x26: {  	[smem:$0x3F97] =	sst s1;
	(tag) =	ssettag s2;
	_ =	strace s9  }
0x27: {  	s1 =	sld [smem:$0x3FA7]  }
0x28: {  	s2 =	sld [smem:$0x3FA8]  }
0x29: {  	s4 =	sld [smem:$0x3FAA]  }
0x2a: {  	p0 =	seq.s32 s5, $0x0;
	s5 =	sld [smem:$0x3FAB]  }
0x2b: {  	s6 =	sld [smem:$0x3FAC]  }
0x2c: {  	s7 =	sld [smem:$0x3FAD]  }
0x2d: {  	s3 =	simm.s32 $0x108;
	s8 =	sld [smem:$0x3FAE]  }
0x2e: {  	s3 =	simm.s32 @!p0 $0x1082;
	s9 =	sld [smem:$0x3FAF]  }
0x2f: {  	lr =	sadd.s32 s0, s3;
	s0 =	sld [smem:$0x3FA6]  }
0x30: {  	s3 =	sld [smem:$0x3FA9]  }
0x31: {  	[smem:$0x3FB2] =	sst s10  }
0x32: {  	s10 =	sld [smem:$0x3FB0];
	_ =	sdelay $0x3  }
0x33: {  	p0 =	seq.s32 s10, $0x1;
	s10 =	sld [smem:$0x3FB2];
	_ =	sdelay $0x3  }
0x34: {  	[smem:$0x3FB2] =	sst s10  }
0x35: {  	s10 =	sld [smem:$0x3FB1];
	_ =	sdelay $0x3  }
0x36: {  	p1 =	seq.s32 s10, $0x1;
	s10 =	sld [smem:$0x3FB2];
	_ =	sdelay $0x3  }
0x37: {  	[smem:$0x3FB2] =	sst s10  }
0x38: {  	s10 =	sld [smem:$0x3FB3]  }
0x39: {  	_ = 	snop;
	(pc) =	sbr.ind lr, $3  }
0x3a: {  	_ = 	snop  }
0x3b: {  	_ = 	snop  }
0x3c: {  	p2 =	seq.s32 s10, $0x1;
	s10 =	sld [smem:$0x3FB2]  }
0x3d: {  	_ =	shalt  }
0x3e: {  	_ =	shalt  }
0x3f: {  	_ =	shalt  }
0x40: {  	_ =	shalt  }
0x41: {  	_ =	shalt  }
0x42: {  	_ =	shalt  }
0x43: {  	_ =	shalt  }
0x44: {  	_ =	shalt  }
0x45: {  	_ =	shalt  }
0x46: {  	_ =	shalt  }
0x47: {  	_ =	shalt  }
0x48: {  	_ =	shalt  }
0x49: {  	_ =	shalt  }
0x4a: {  	_ =	shalt  }
0x4b: {  	_ =	shalt  }
0x4c: {  	_ =	shalt  }
0x4d: {  	_ =	shalt  }
0x4e: {  	_ =	shalt  }
0x4f: {  	_ =	shalt  }
0x50: {  	_ =	shalt  }
0x51: {  	_ =	shalt  }
0x52: {  	_ =	shalt  }
0x53: {  	_ =	shalt  }
0x54: {  	_ =	shalt  }
0x55: {  	_ =	shalt  }
0x56: {  	_ =	shalt  }
0x57: {  	_ =	shalt  }
0x58: {  	_ =	shalt  }
0x59: {  	_ =	shalt  }
0x5a: {  	_ =	shalt  }
0x5b: {  	_ =	shalt  }
0x5c: {  	_ =	shalt  }
0x5d: {  	_ =	shalt  }
0x5e: {  	_ =	shalt  }
0x5f: {  	_ =	shalt  }
0x60: {  	_ =	shalt  }
0x61: {  	_ =	shalt  }
0x62: {  	_ =	shalt  }
0x63: {  	_ =	shalt  }
0x64: {  	_ =	shalt  }
0x65: {  	_ =	shalt  }
0x66: {  	_ =	shalt  }
0x67: {  	_ =	shalt  }
0x68: {  	_ =	shalt  }
0x69: {  	_ =	shalt  }
0x6a: {  	_ =	shalt  }
0x6b: {  	_ =	shalt  }
0x6c: {  	_ =	shalt  }
0x6d: {  	_ =	shalt  }
0x6e: {  	_ =	shalt  }
0x6f: {  	_ =	shalt  }
0x70: {  	_ =	shalt  }
0x71: {  	_ =	shalt  }
0x72: {  	_ =	shalt  }
0x73: {  	_ =	shalt  }
0x74: {  	_ =	shalt  }
0x75: {  	_ =	shalt  }
0x76: {  	_ =	shalt  }
0x77: {  	_ =	shalt  }
0x78: {  	_ =	shalt  }
0x79: {  	_ =	shalt  }
0x7a: {  	_ =	shalt  }
0x7b: {  	_ =	shalt  }
0x7c: {  	_ =	shalt  }
0x7d: {  	_ =	shalt  }
0x7e: {  	_ =	shalt  }
0x7f: {  	_ =	shalt  }
0x80: {  	_ =	shalt  }
0x81: {  	_ =	shalt  }
0x82: {  	_ =	shalt  }
0x83: {  	_ =	shalt  }
0x84: {  	_ =	shalt  }
0x85: {  	_ =	shalt  }
0x86: {  	_ =	shalt  }
0x87: {  	_ =	shalt  }
.Lfunc_end0:
.L_simem_size_0:
called_computation_lowered:
.L_overlay_start_0:
0x88: {  	s2 =	sld [smem:$0x3FD9]  }
0x89: {  	s3 =	sld [smem:$0x3FFE];
	_ =	sdelay $0x1  }
0x8a: {  	s1 =	srdreg.scid  }
0x8b: {  	s0 =	sand.u32 $0x1, s1  }
0x8c: {  	s17 =	sshll.u32 s0, $0xA;
	s2 =	sadd.s32 s3, s2  }
0x8d: {  	s2 =	sadd.s32 s2, s17  }
0x8e: {  	[smem:$0x3FBE] =	sst s2  }
0x8f: {  	_ = 	snop  }
0x90: {  	s2 =	sld [smem:$0x3FD0];
	(tm) =	ssettm $0x1  }
0x91: {  	s18 =	sld [smem:$0x3FFB];
	_ =	sdelay $0x3  }
0x92: {  	_ =	strace s18  }
0x93: {  	s3 =	sld [smem:$0x3FFC];
	_ =	sdelay $0x3  }
0x94: {  	_ =	strace s3  }
0x95: {  	s3 =	sld [smem:$0x3FFD];
	_ =	sdelay $0x3  }
0x96: {  	_ =	strace s3  }
0x97: {  	_ =	strace $0x8FFFFFFF  }
0x98: {  	s19 =	sld [smem:$0x3FDB];
	_ =	sdelay $0x1  }
0x99: {  	s4 =	simm.s32 $_scs_section_size  }
0x9a: {  	s5 =	simm.s32 $_size__tile_overlayer_lowered;
	s6 =	simm.s32 $_tile_overlayer_lowered  }
0x9b: {  	s22 =	simm.s32 $0x1BFF;
	s21 =	sshll.u32 s6, $0x1;
	s3 =	sadd.s32 s4, s19  }
0x9c: {  	s7 =	simm.s32 $0x0;
	s20 =	sshll.u32 s5, $0x1;
	s5 =	sadd.s32 s21, s3  }
0x9d: {  	[timem:s7], [sflag:s22] =	dma.local [hbm:s5], s20  }
0x9e: {  	_ =	swait.ge [sflag:s22], s20  }
0x9f: {  	s4 =	ssub.s32 $0x0, s20;
	[sflag:s22] =	ssyncset.done $0x0  }
0xa0: {  	[sflag:s22] =	ssyncadd.s32 s4;
	_ =	sdelay $0x1  }
0xa1: {  	s23 =	simm.s32 $0x1B8B  }
0xa2: {  	_ =	swait.ge [sflag:s23], $0x1  }
0xa3: {  	[sflag:s23] =	ssyncset.done $0x0  }
0xa4: {  	s25 =	simm.s32 $0x1B8E;
	s24 =	sld [smem:$0x3FFE];
	[sflag:s23] =	ssyncadd.s32 $0xFFFFFFFF  }
0xa5: {  	s26 =	simm.s32 $execute0_lowered;
	[smem:$0x3FD2] =	sst s25  }
0xa6: {  	s5 =	sshll.u32 s26, $0x1;
	_ =	strace $0x80000046;
	[dreg:$0x1] =	wrdreg $0xFFFFFFFF  }
0xa7: {  	s28 =	simm.s32 $_size_execute0_lowered;
	s3 =	sadd.s32 s3, s5;
	[dreg:$0x0] =	wrdreg $0x0  }
0xa8: {  	s5 =	sshll.u32 s28, $0x1;
	[dreg:$0x2] =	wrdreg s3  }
0xa9: {  	[dreg:$0x3] =	wrdreg s5  }
0xaa: {  	[dreg:$0x4] =	wrdreg $0xC0  }
0xab: {  	_ =	task [dreg:s7], $0x5FFFF  }
0xac: {  	[dreg:$0x1] =	wrdreg $0xFFFFFFFF  }
0xad: {  	[dreg:$0x0] =	wrdreg $0x60  }
0xae: {  	[dreg:$0x2] =	wrdreg s2  }
0xaf: {  	[dreg:$0x3] =	wrdreg s24  }
0xb0: {  	[dreg:$0x4] =	wrdreg $0x59000  }
0xb1: {  	[dreg:$0x5] =	wrdreg $0x9  }
0xb2: {  	_ =	task.clear_ibuf [dreg:s7], $0x6FFFF;
	_ =	strace $0x90000046  }
0xb3: {  	s29 =	simm.s32 $0x9;
	_ =	strace $0x80000048  }
0xb4: {  	_ =	swait.ge [sflag:s29], $0x1  }
0xb5: {  	[sflag:s29] =	ssyncadd.s32 $0xFFFFFFFF  }
0xb6: {  	_ =	strace $0x90000048  }
0xb7: {  	_ =	sfence  }
0xb8: {  	s30 =	sld [smem:$0x0];
	_ =	sdelay $0x2  }
0xb9: {  	s31 =	sshll.u32 s1, $0xD;
	s1 =	sshrl.u32 s1, $0x2  }
0xba: {  	s3 =	sand.u32 $0x4000, s31;
	s1 =	sadd.s32 s1, s30  }
0xbb: {  	s0 =	sor.u32 s3, s0;
	s1 =	sshll.u32 s1, $0x11  }
0xbc: {  	s0 =	sor.u32 s1, s0  }
0xbd: {  	s0 =	sadd.s32 $0x8F2B, s0  }
0xbe: {  	[sflag:s0] =	ssyncadd.remote.s32 $0x1  }
0xbf: {  	_ =	sfence.sel $0xFFFF  }
0xc0: {  	[dreg:$0x0] =	wrdreg $0xFFFFFFFF;
	(pc) =	sbr.abs _section_cstart, $3  }
0xc1: {  	[dreg:$0x1] =	wrdreg $0xFFFFFFFF  }
0xc2: {  	_ =	task.clear_ibuf [dreg:s7], $0x2FFFF;
	_ =	strace $0x9FFFFFFF  }
0xc3: {  	(tm) =	ssettm $0x7FFFFFFF  }
tec
execute0_lowered:
.L_overlay_start_1:
0x0: {  	(tag) =	ssettag $0x1  }
0x1: {  	s1 =	rddreg [dreg:$0x0]  }
0x2: {  	s8 =	rddreg [dreg:$0x1]  }
0x3: {  	s2 =	rddreg [dreg:$0x2]  }
0x4: {  	s3 =	srdreg.scid;
	s0 =	rddreg [dreg:$0x3];
	s4 =	simm.s32 $0x0  }
0x5: {  	s16 =	simm.s32 $0x3000;
	s17 =	simm.s32 $0x3;
	s18 =	simm.s32 $0x5800  }
0x6: {  	s19 =	simm.s32 $0x5880;
	s20 =	simm.s32 $0x80;
	s21 =	simm.s32 $0x1  }
0x7: {  	s22 =	simm.s32 $0x2;
	s9 =	sand.u32 $0x1, s3;
	s3 =	stileid.u32  }
0x8: {  	[smem:$0x7FF] =	sst s4;
	s5 =	sadd.s32 $0x15E00, s8;
	s6 =	smul.u32 $0xC5800, s9  }
0x9: {  	s7 =	sadd.s32 $0x2200, s8;
	s12 =	smul.u32 $0xC580, s3;
	_ =	strace $0x80000047  }
0xa: {  	s11 =	smul.u32 $0x31600, s3;
	s28 =	ssub.s32 $0x2, s9;
	s14 =	sshll.u32 s3, $0x1  }
0xb: {  	s30 =	sshrl.u32 s28, $0x1;
	s31 =	sor.u32 s9, s14;
	s10 =	sadd.s32 s12, s6  }
0xc: {  	s6 =	sadd.s32 $0xC000, s8;
	s29 =	sshrl.u32 s11, $0x2;
	s15 =	ssub.s32 s28, s30  }
0xd: {  	s23 =	sadd.s32 s12, s2;
	s10 =	sshrl.u32 s10, $0x3;
	s12 =	smax.u32 s15, $0x1  }
0xe: {  	v1 =	vlaneseq.u32;
	s23 =	sshrl.u32 s23, $0x3;
	s13 =	sadd.s32 s10, s8;
	s8 =	sadd.s32 s29, s2  }
0xf: {  	v0 =	vimm.f32 $0.0e+00;
	v1 =	vshrl.u32 v1, $0x3;
	s10 =	smul.u32 $0x2780, s31;
	s9 =	sadd.s32 $0xA000, s8;
	s11 =	sadd.s32 $0x1AE00, s13  }
0x10: {  	v2 =	vor.u32 $0x2, v1;
	v3 =	vor.u32 $0x4, v1;
	v4 =	vor.u32 $0x6, v1;
	s13 =	sadd.s32 $0x2800, s8;
	s14 =	sadd.s32 $0x5000, s8;
	s15 =	sadd.s32 $0x7800, s8  }
.LBB2_1:
0x11: {  	s25 =	simm.s32 $0x240;
	s24 =	simm.s32 $0x40  }
.LBB2_2:
0x12: {  	p0 =	sne.s32 s25, $0x9FC0;
	[tilespmem:s24+$0x3000] =	vst v0;
	s26 =	smov.u32 s25;
	s25 =	sadd.s32 $0x140, s25  }
.Ltmp0:
0x13: {  	[tilespmem:s24+$0x2FF0] =	vst v0;
	(pc) =	sbr.rel @p0 .LBB2_2-.Ltmp0, $4  }
0x14: {  	[tilespmem:s24+$0x2FE0] =	vst v0  }
0x15: {  	[tilespmem:s24+$0x2FC0] =	vst v0  }
0x16: {  	[tilespmem:s24+$0x2FD0] =	vst v0  }
0x17: {  	s24 =	sshra.s32 s26, $0x2  }
0x18: {  	[tilespmem:s24+$0x3000] =	vst v0  }
0x19: {  	[tilespmem:s24+$0x2FF0] =	vst v0  }
0x1a: {  	[tilespmem:s24+$0x2FE0] =	vst v0  }
0x1b: {  	[tilespmem:s24+$0x2FC0] =	vst v0  }
0x1c: {  	[tilespmem:s24+$0x2FD0] =	vst v0  }
0x1d: {  	[spmem:s8] =	stream.linear.scatter [tilespmem:s16], [sflag:$0x3], $0x2800, $0x38;
	[tilespmem:$0x11E80] =	vst v63  }
0x1e: {  	_ =	swait.ge [sflag:s17], $0x2800  }
0x1f: {  	[sflag:s17] =	ssyncset.done $0x0  }
0x20: {  	[sflag:s17] =	ssyncadd.s32 $0xFFFFD800  }
0x21: {  	[spmem:s13] =	stream.linear.scatter [tilespmem:s16], [sflag:$0x3], $0x2800, $0x38;
	[tilespmem:$0x11E80] =	vst v63  }
0x22: {  	_ =	swait.ge [sflag:s17], $0x2800  }
0x23: {  	[sflag:s17] =	ssyncset.done $0x0  }
0x24: {  	[sflag:s17] =	ssyncadd.s32 $0xFFFFD800  }
0x25: {  	[spmem:s14] =	stream.linear.scatter [tilespmem:s16], [sflag:$0x3], $0x2800, $0x38;
	[tilespmem:$0x11E80] =	vst v63  }
0x26: {  	_ =	swait.ge [sflag:s17], $0x2800  }
0x27: {  	[sflag:s17] =	ssyncset.done $0x0  }
0x28: {  	[sflag:s17] =	ssyncadd.s32 $0xFFFFD800  }
0x29: {  	[spmem:s15] =	stream.linear.scatter [tilespmem:s16], [sflag:$0x3], $0x2800, $0x38;
	[tilespmem:$0x11E80] =	vst v63  }
0x2a: {  	_ =	swait.ge [sflag:s17], $0x2800  }
0x2b: {  	[sflag:s17] =	ssyncset.done $0x0  }
0x2c: {  	[sflag:s17] =	ssyncadd.s32 $0xFFFFD800  }
0x2d: {  	[spmem:s9] =	stream.linear.scatter [tilespmem:s16], [sflag:$0x3], $0x2580, $0x38;
	[tilespmem:$0x11E80] =	vst v63  }
0x2e: {  	_ =	swait.ge [sflag:s17], $0x2580  }
0x2f: {  	[sflag:s17] =	ssyncset.done $0x0  }
0x30: {  	[sflag:s17] =	ssyncadd.s32 $0xFFFFDA80  }
0x31: {  	s24 =	simm.s32 $0x0;
	s25 =	simm.s32 $0x0;
	[bflag:$0x0] =	sbarrier.arrive $0xFFFF  }
.LBB2_4:
0x32: {  	s26 =	sshll.u32 s25, $0x7  }
0x33: {  	s26 =	sadd.s32 s10, s26  }
0x34: {  	s26 =	sshrl.u32 s26, $0x3  }
0x35: {  	s28 =	sadd.s32 s6, s26  }
0x36: {  	[tilespmem:s18], [sflag:$0x3] =	stream.linear.gather [hbm4b:s28+s24], $0x80, $0x38;
	[tilespmem:$0x11E80] =	vst v63  }
0x37: {  	_ =	swait.ge [sflag:s17], $0x80  }
0x38: {  	[sflag:s17] =	ssyncset.done $0x0  }
0x39: {  	s26 =	sadd.s32 s7, s26;
	[sflag:s17] =	ssyncadd.s32 $0xFFFFFF80  }
0x3a: {  	[tilespmem:s19], [sflag:$0x3] =	stream.linear.gather [hbm4b:s26+s24], $0x80, $0x38;
	[tilespmem:$0x11E80] =	vst v63  }
0x3b: {  	_ =	swait.ge [sflag:s17], $0x80  }
0x3c: {  	[sflag:s17] =	ssyncset.done $0x0  }
0x3d: {  	[sflag:s17] =	ssyncadd.s32 $0xFFFFFF80  }
0x3e: {  	[tilespmem:s24], [sflag:$0x1] =	stream.indirect.gather [hbm4b:s1+s20], $0x50, s18, s20, $0xb8;
	[tilespmem:$0x11E80] =	vst v63  }
0x3f: {  	s28 =	simm.s32 $0x2800  }
0x40: {  	[tilespmem:s28], [sflag:$0x2] =	stream.indirect.gather [hbm4b:s5+s20], $0x10, s19, s20, $0xb8;
	[tilespmem:$0x11E80] =	vst v63  }
0x41: {  	_ =	swait.ge [sflag:s21], $0x2800  }
0x42: {  	[sflag:s21] =	ssyncset.done $0x0  }
0x43: {  	[sflag:s21] =	ssyncadd.s32 $0xFFFFD800  }
0x44: {  	_ =	swait.ge [sflag:s22], $0x800  }
0x45: {  	[sflag:s22] =	ssyncset.done $0x0  }
0x46: {  	s26 =	simm.s32 $0x0;
	[sflag:s22] =	ssyncadd.s32 $0xFFFFF800  }
0x47: {  	s29 =	simm.s32 $0x140;
	v5 =	vld [tilespmem:s26+$0x40]  }
.LBB2_5:
0x48: {  	p0 =	sne.s32 s29, $0x9EC0;
	v6 =	vld [tilespmem:s28+$0x0];
	_ =	sdelay $0x4  }
0x49: {  	v5 =	vadd.f32 v6, v5;
	_ =	sdelay $0x1  }
0x4a: {  	v6 =	vmul.f32 $2.000000030e-01, v5;
	_ =	sdelay $0x1  }
0x4b: {  	v5 =	vmax.f32 v5, v6  }
0x4c: {  	v5 =	vmul.f32 $1.442695020e+00, v5;
	_ =	sdelay $0x1  }
0x4d: {  	(erf) = vpow2.f32 v5;
	_ =	sdelay $0x4  }
0x4e: {  	v5 =	vld [tilespmem:s26+$0x0]  }
0x4f: {  	v6 =	vld [tilespmem:s26+$0x10]  }
0x50: {  	v7 =	vld [tilespmem:s26+$0x20]  }
0x51: {  	v8 =	vld [tilespmem:s26+$0x30]  }
0x52: {  	v9 =	vpop (erf)  }
0x53: {  	[tilespmem:s26+$0x3040] =	vst v9;
	v10 =	vperm.xlane v9, v1;
	v11 =	vperm.xlane v9, v2  }
0x54: {  	v12 =	vperm.xlane v9, v3;
	v9 =	vperm.xlane v9, v4  }
0x55: {  	v5 =	vmul.f32 v5, v10;
	v6 =	vmul.f32 v6, v11  }
.Ltmp1:
0x56: {  	v7 =	vmul.f32 v7, v12;
	v8 =	vmul.f32 v8, v9;
	(pc) =	sbr.rel @p0 .LBB2_5-.Ltmp1, $4  }
0x57: {  	[tilespmem:s26+$0x3000] =	vst v5  }
0x58: {  	[tilespmem:s26+$0x3010] =	vst v6  }
0x59: {  	s30 =	sshra.s32 s29, $0x2;
	[tilespmem:s26+$0x3020] =	vst v7  }
0x5a: {  	s29 =	sadd.s32 $0x140, s29;
	s28 =	sadd.s32 $0x10, s28;
	v5 =	vld [tilespmem:s30+$0x40];
	[tilespmem:s26+$0x3030] =	vst v8;
	s26 =	smov.u32 s30  }
0x5b: {  	v6 =	vld [tilespmem:s28+$0x0];
	_ =	sdelay $0x4  }
0x5c: {  	v5 =	vadd.f32 v6, v5;
	_ =	sdelay $0x1  }
0x5d: {  	v6 =	vmul.f32 $2.000000030e-01, v5;
	_ =	sdelay $0x1  }
0x5e: {  	v5 =	vmax.f32 v5, v6  }
0x5f: {  	v5 =	vmul.f32 $1.442695020e+00, v5;
	_ =	sdelay $0x1  }
0x60: {  	(erf) = vpow2.f32 v5;
	_ =	sdelay $0x6  }
0x61: {  	v5 =	vld [tilespmem:s26+$0x0]  }
0x62: {  	v6 =	vld [tilespmem:s26+$0x10]  }
0x63: {  	v7 =	vld [tilespmem:s26+$0x20];
	v8 =	vpop (erf)  }
0x64: {  	v9 =	vld [tilespmem:s26+$0x30];
	v10 =	vperm.xlane v8, v1  }
0x65: {  	v11 =	vperm.xlane v8, v2  }
0x66: {  	v12 =	vperm.xlane v8, v3;
	v5 =	vmul.f32 v5, v10  }
0x67: {  	[tilespmem:s26+$0x3040] =	vst v8;
	v8 =	vperm.xlane v8, v4;
	v6 =	vmul.f32 v6, v11  }
0x68: {  	v7 =	vmul.f32 v7, v12;
	[tilespmem:s26+$0x3000] =	vst v5  }
0x69: {  	s25 =	sadd.s32 $0x1, s25;
	v5 =	vmul.f32 v9, v8;
	[tilespmem:s26+$0x3010] =	vst v6  }
0x6a: {  	p0 =	sne.s32 s25, $0x4F;
	[tilespmem:s26+$0x3020] =	vst v7  }
.Ltmp2:
0x6b: {  	[tilespmem:s26+$0x3030] =	vst v5;
	(pc) =	sbr.rel @p0 .LBB2_4-.Ltmp2, $4  }
0x6c: {  	[spmem:s2] =	stream.indirect.scatter.add.f32 [tilespmem:s16], [sflag:$0x3], $0x50, s19, s20, $0xb8;
	[tilespmem:$0x11E80] =	vst v63  }
0x6d: {  	_ =	swait.ge [sflag:s17], $0x2800  }
0x6e: {  	[sflag:s17] =	ssyncset.done $0x0  }
0x6f: {  	[sflag:s17] =	ssyncadd.s32 $0xFFFFD800  }
0x70: {  	s4 =	sadd.s32 $0x1, s4  }
0x71: {  	s24 =	sshll.u32 s3, $0x6;
	p0 =	sne.s32 s4, s12  }
.Ltmp3:
0x72: {  	[bflag:$0x0] =	sbarrier.arrive $0xFFFF;
	s24 =	sor.u32 $0x1C03, s24;
	(pc) =	sbr.rel @p0 .LBB2_1-.Ltmp3, $4  }
0x73: {  	[hbm:s11], [sflag:s24] =	dma.local [spmem:s23], $0x18B0  }
0x74: {  	_ =	swait.ge [sflag:s17], $0x18B0  }
0x75: {  	[sflag:s17] =	ssyncset.done $0x0  }
0x76: {  	[sflag:s17] =	ssyncadd.s32 $0xFFFFE750  }
0x77: {  	_ =	sfence.sel $0x180000  }
0x78: {  	[bflag:$0x0] =	sbarrier.arrive $0xFFFF  }
0x79: {  	p0 =	sne.s32 s3, $0x0;
	_ =	strace $0x90000047  }
0x7a: {  	s0 =	sadd.s32 @!p0 $0x100000, s0;
	[bflag:$0x2] =	sbarrier.arrive $0xFFFF  }
0x7b: {  	[sflag:s0] =	ssyncadd.tile.s32 @!p0 $0x1;
	_ =	shalt  }
.Lfunc_end2:
_tile_overlayer_lowered:
.L_overlay_start_2:
0x7c: {  	(tag) =	ssettag $0x2  }
0x7d: {  	s0 =	rddreg [dreg:$0x0];
	s2 =	stileid.u32  }
0x7e: {  	s1 =	rddreg [dreg:$0x1];
	p0 =	sne.s32 s2, $0x0  }
0x7f: {  	s3 =	rddreg [dreg:$0x2];
	[bflag:$0x3] =	sbarrier.arrive $0xFFFF;
	s2 =	simm.s32 @!p0 $0x1C03  }
0x80: {  	[timem:s3], [sflag:s2] =	dma.local @!p0 [hbm:s0], s1  }
0x81: {  	s0 =	simm.s32 @!p0 $0x3  }
0x82: {  	_ =	swait.ge @!p0 [sflag:s0], s1  }
0x83: {  	s1 =	ssub.s32 @!p0 $0x0, s1;
	[sflag:s0] =	ssyncset.done @!p0 $0x0  }
0x84: {  	[sflag:s0] =	ssyncadd.s32 @!p0 s1  }
0x85: {  	[bflag:$0x3] =	sbarrier.arrive $0xFFFF  }
0x86: {  	_ =	shalt  }

</sc_bundles>
